<compile_context>
chip_gen: v7x
topology: tpu7x:2x2x1
jax: 0.10.2.dev20260603
libtpu: 0.0.44.dev20260713+nightly
codegen_flags: <defaults>
</compile_context>

<pallas_src>
import functools

import jax
import jax.numpy as jnp
from jax import lax
from jax.experimental import pallas as pl
from jax.experimental.pallas import tpu as pltpu
from jax.experimental.pallas import tpu_sc as plsc

_N = 10000
_E = 320000
_D = 128

_NC = 2
_NS = 16
_NW = _NC * _NS
_EPW = _E // _NW
_CH = 80
_NCHUNK = _EPW // _CH
_RPT = 624
_RPT_LAST = _N - 15 * _RPT
_ZR = 16


def _sc_agg_body(feat_hbm, src_hbm, dst_hbm, efeat_hbm, out_hbm,
                 agg_sh, srcv, dstv, rows, ef, zbuf, gsem):
    c = lax.axis_index("c")
    s = lax.axis_index("s")
    wid = s * _NC + c

    zero = jnp.zeros((16,), jnp.float32)

    def _zb(i, _):
        zbuf[i // 8, pl.ds((i % 8) * 16, 16)] = zero
        return ()

    lax.fori_loop(0, _ZR * 8, _zb, ())
    row0 = s * _RPT
    nz = jnp.where(s == _NS - 1, _RPT_LAST // _ZR, _RPT // _ZR)

    def _z(i, _):
        off = pl.multiple_of(row0 + i * _ZR, 8)
        pltpu.sync_copy(zbuf, agg_sh.at[pl.ds(off, _ZR), :])
        return ()

    lax.fori_loop(0, nz, _z, ())
    plsc.subcore_barrier()

    ebase = wid * _EPW

    def _chunk(i, _):
        base = pl.multiple_of(ebase + i * _CH, 8)
        pltpu.sync_copy(src_hbm.at[pl.ds(base, _CH)], srcv)
        pltpu.sync_copy(dst_hbm.at[pl.ds(base, _CH)], dstv)
        pltpu.async_copy(feat_hbm.at[srcv], rows, gsem).wait()
        pltpu.sync_copy(efeat_hbm.at[pl.ds(base, _CH), :], ef)

        def _ew(j, _):
            e = j // 8
            k = (j % 8) * 16
            x = ef[e, pl.ds(k, 16)]
            g = 1.0 / (1.0 + jnp.exp(-x))
            rows[e, pl.ds(k, 16)] = rows[e, pl.ds(k, 16)] * g
            return ()

        lax.fori_loop(0, _CH * 8, _ew, ())
        pltpu.sync_copy(rows, agg_sh.at[dstv], add=True)
        return ()

    lax.fori_loop(0, _NCHUNK, _chunk, ())

    plsc.subcore_barrier()

    @pl.when(s < _NS - 1)
    def _():
        off = pl.multiple_of(row0, 8)
        pltpu.sync_copy(agg_sh.at[pl.ds(off, _RPT), :],
                        out_hbm.at[c, pl.ds(off, _RPT), :])

    @pl.when(s == _NS - 1)
    def _():
        off = 15 * _RPT
        pltpu.sync_copy(agg_sh.at[pl.ds(off, _RPT_LAST), :],
                        out_hbm.at[c, pl.ds(off, _RPT_LAST), :])


_sc_agg = functools.partial(
    pl.kernel,
    out_type=jax.ShapeDtypeStruct((_NC, _N, _D), jnp.float32),
    mesh=plsc.VectorSubcoreMesh(core_axis_name="c", subcore_axis_name="s"),
    scratch_types=[
        pltpu.VMEM_SHARED((_N, _D), jnp.float32),
        pltpu.VMEM((_CH,), jnp.int32),
        pltpu.VMEM((_CH,), jnp.int32),
        pltpu.VMEM((_CH, _D), jnp.float32),
        pltpu.VMEM((_CH, _D), jnp.float32),
        pltpu.VMEM((_ZR, _D), jnp.float32),
        pltpu.SemaphoreType.DMA,
    ],
)(_sc_agg_body)


_RB = 1000


def _dense_body(feat_ref, p0_ref, p1_ref, ws_ref, wn_ref, b_ref, out_ref):
    agg = p0_ref[...] + p1_ref[...]
    h = jnp.dot(feat_ref[...], ws_ref[...], preferred_element_type=jnp.float32)
    h += jnp.dot(agg, wn_ref[...], preferred_element_type=jnp.float32)
    h += b_ref[...]
    out_ref[...] = jnp.maximum(h, 0.0) + feat_ref[...]


def _dense(feat, p0, p1, w_self, w_nbr, b):
    grid = (_N // _RB,)
    blk = pl.BlockSpec((_RB, _D), lambda i: (i, 0))
    wblk = pl.BlockSpec((_D, _D), lambda i: (0, 0))
    bblk = pl.BlockSpec((1, _D), lambda i: (0, 0))
    return pl.pallas_call(
        _dense_body,
        grid=grid,
        in_specs=[blk, blk, blk, wblk, wblk, bblk],
        out_specs=blk,
        out_shape=jax.ShapeDtypeStruct((_N, _D), jnp.float32),
    )(feat, p0, p1, w_self, w_nbr, b.reshape(1, _D))


@jax.jit
def kernel(graph, feat, efeat, W_self1, W_nbr1, b1, W_self2, W_nbr2, b2):
    src = graph[0]
    dst = graph[1]
    p1 = _sc_agg(feat, src, dst, efeat)
    h1 = _dense(feat, p1[0], p1[1], W_self1, W_nbr1, b1)
    p2 = _sc_agg(h1, src, dst, efeat)
    h2 = _dense(h1, p2[0], p2[1], W_self2, W_nbr2, b2)
    return h2

# --- scband reference (transcript-rebuilt; emitter-appended) ---
"""Pipeline reference for scband-mol-gnn-23845658427659 (READ-ONLY COPY).

The authoritative reference and input builder live on the scoring server;
editing this copy changes nothing except your own understanding.
"""

import jax, jax.numpy as jnp
import numpy as np

N = 10000
E = 320000
D = 128
RESIDUAL = True


def _mpnn_layer(feat, efeat, src, dst, W_self, W_nbr, b):
    # message: gather source node features, gate by (embedded) edge features
    m = feat[src] * jax.nn.sigmoid(efeat)          # gather + elementwise (memory-bound)
    # aggregate: scatter-add messages to destination nodes (aggr='sum')
    agg = jax.ops.segment_sum(m, dst, num_segments=N)
    # update: node-level dense transform
    out = jax.nn.relu(feat @ W_self + agg @ W_nbr + b)
    if RESIDUAL:
        out = out + feat
    return out


def setup_inputs(seed: int = 0) -> dict:
    key = jax.random.key(seed)
    ks = jax.random.split(key, 10)
    feat = jax.random.normal(ks[0], (N, D), dtype=jnp.float32)
    graph = jax.random.randint(ks[1], (2, E), 0, N, dtype=jnp.int32)
    efeat = jax.random.normal(ks[2], (E, D), dtype=jnp.float32)
    s = 1.0 / np.sqrt(D)
    W_self1 = jax.random.normal(ks[3], (D, D), dtype=jnp.float32) * s
    W_nbr1 = jax.random.normal(ks[4], (D, D), dtype=jnp.float32) * s
    b1 = jnp.zeros((D,), dtype=jnp.float32)
    W_self2 = jax.random.normal(ks[5], (D, D), dtype=jnp.float32) * s
    W_nbr2 = jax.random.normal(ks[6], (D, D), dtype=jnp.float32) * s
    b2 = jnp.zeros((D,), dtype=jnp.float32)
    return {"graph": graph, "feat": feat, "efeat": efeat,
            "W_self1": W_self1, "W_nbr1": W_nbr1, "b1": b1,
            "W_self2": W_self2, "W_nbr2": W_nbr2, "b2": b2}


def reference(graph, feat, efeat, W_self1, W_nbr1, b1, W_self2, W_nbr2, b2):
    src = graph[0]
    dst = graph[1]
    h1 = _mpnn_layer(feat, efeat, src, dst, W_self1, W_nbr1, b1)
    h2 = _mpnn_layer(h1, efeat, src, dst, W_self2, W_nbr2, b2)
    return h2

if __name__ == "__main__":
    import jax
    _d = setup_inputs()
    print(jax.jit(kernel)(*tuple(_d.values())))

</pallas_src>

<mosaic_0001>
#map = affine_map<(d0, d1) -> (0, 0)>
#map1 = affine_map<(d0, d1) -> (0)>
#map2 = affine_map<(d0, d1) -> (0, 0, 0)>
module attributes {stable_mosaic.version = 14 : i64} {
  func.func @_sc_agg_body(%arg0: i32, %arg1: i32, %arg2: memref<10000x128xf32, #tpu.memory_space<hbm>>, %arg3: memref<320000xi32, #tpu.memory_space<hbm>>, %arg4: memref<320000xi32, #tpu.memory_space<hbm>>, %arg5: memref<320000x128xf32, #tpu.memory_space<hbm>>, %arg6: memref<2x10000x128xf32, #tpu.memory_space<hbm>>, %arg7: memref<10000x128xf32, #tpu.memory_space<vmem_shared>>, %arg8: memref<80xi32, #tpu.memory_space<vmem>>, %arg9: memref<80xi32, #tpu.memory_space<vmem>>, %arg10: memref<80x128xf32, #tpu.memory_space<vmem>>, %arg11: memref<80x128xf32, #tpu.memory_space<vmem>>, %arg12: memref<16x128xf32, #tpu.memory_space<vmem>>, %arg13: memref<!tpu.dma_semaphore, #tpu.memory_space<semaphore_mem>>) attributes {dimension_semantics = [#tpu.dimension_semantics<core_parallel>, #tpu.dimension_semantics<subcore_parallel>], iteration_bounds = array<i64: 2, 16>, scalar_prefetch = 0 : i64, scratch_operands = 7 : i64, tpu.core_type = #tpu.core_type<sc_vector_subcore>, window_params = [{transform_indices = #map}, {transform_indices = #map1}, {transform_indices = #map1}, {transform_indices = #map}, {transform_indices = #map2}]} {
    %mul3A = arith.constant 2 : i32
    %mul3A_0 = arith.muli %arg1, %mul3A : i32
    %add3A = arith.addi %mul3A_0, %arg0 : i32
    %broadcast_in_dim3A = arith.constant 0.000000e+00 : f32
    %broadcast_in_dim3A_1 = vector.broadcast %broadcast_in_dim3A : f32 to vector<16xf32>
    %scan3A = arith.constant 0 : i32
    %scan3A_2 = arith.constant 128 : i32
    %scan3A_3 = arith.addi %scan3A, %scan3A_2 : i32
    %scan3A_4 = arith.constant 1 : i32
    scf.for %scan3A_33 = %scan3A to %scan3A_3 step %scan3A_4  : i32 {
      %jit3A_34 = arith.constant 8 : i32
      %div3A = arith.divsi %scan3A_33, %jit3A_34 : i32
      %sign3A = arith.constant 0 : i32
      %sign3A_35 = arith.cmpi sgt, %scan3A_33, %sign3A : i32
      %sign3A_36 = arith.extui %sign3A_35 : i1 to i32
      %sign3A_37 = arith.constant 0 : i32
      %sign3A_38 = arith.cmpi slt, %scan3A_33, %sign3A_37 : i32
      %sign3A_39 = arith.extui %sign3A_38 : i1 to i32
      %sign3A_40 = arith.subi %sign3A_36, %sign3A_39 : i32
      %sign3A_41 = arith.constant 0 : i32
      %sign3A_42 = arith.cmpi sgt, %jit3A_34, %sign3A_41 : i32
      %sign3A_43 = arith.extui %sign3A_42 : i1 to i32
      %sign3A_44 = arith.constant 0 : i32
      %sign3A_45 = arith.cmpi slt, %jit3A_34, %sign3A_44 : i32
      %sign3A_46 = arith.extui %sign3A_45 : i1 to i32
      %sign3A_47 = arith.subi %sign3A_43, %sign3A_46 : i32
      %ne3A = arith.cmpi ne, %sign3A_40, %sign3A_47 : i32
      %rem3A = arith.remsi %scan3A_33, %jit3A_34 : i32
      %ne3A_48 = arith.constant 0 : i32
      %ne3A_49 = arith.cmpi ne, %rem3A, %ne3A_48 : i32
      %and3A = arith.andi %ne3A, %ne3A_49 : i1
      %sub3A = arith.constant 1 : i32
      %sub3A_50 = arith.subi %div3A, %sub3A : i32
      %select_n3A_51 = arith.select %and3A, %sub3A_50, %div3A : i32
      %jit3A_52 = arith.constant 8 : i32
      %eq3A_53 = arith.constant 0 : i32
      %eq3A_54 = arith.cmpi eq, %jit3A_52, %eq3A_53 : i32
      %jit3A_55 = arith.constant 1 : i32
      %select_n3A_56 = arith.select %eq3A_54, %jit3A_55, %jit3A_52 : i32
      %rem3A_57 = arith.remsi %scan3A_33, %select_n3A_56 : i32
      %ne3A_58 = arith.constant 0 : i32
      %ne3A_59 = arith.cmpi ne, %rem3A_57, %ne3A_58 : i32
      %lt3A_60 = arith.constant 0 : i32
      %lt3A_61 = arith.cmpi slt, %rem3A_57, %lt3A_60 : i32
      %lt3A_62 = arith.constant 0 : i32
      %lt3A_63 = arith.cmpi slt, %select_n3A_56, %lt3A_62 : i32
      %ne3A_64 = arith.xori %lt3A_61, %lt3A_63 : i1
      %and3A_65 = arith.andi %ne3A_64, %ne3A_59 : i1
      %add3A_66 = arith.addi %rem3A_57, %select_n3A_56 : i32
      %select_n3A_67 = arith.select %and3A_65, %add3A_66, %rem3A_57 : i32
      %mul3A_68 = arith.constant 16 : i32
      %mul3A_69 = arith.muli %select_n3A_67, %mul3A_68 : i32
      %swap3A = arith.index_cast %select_n3A_51 : i32 to index
      %swap3A_70 = arith.index_cast %mul3A_69 : i32 to index
      %swap3A_71 = tpu.vector_load %arg12[%swap3A, %swap3A_70] {strides = array<i32>} : memref<16x128xf32, #tpu.memory_space<vmem>>, vector<1x16xf32>,
      %swap3A_72 = vector.shape_cast %swap3A_71 : vector<1x16xf32> to vector<16xf32>
      %swap3A_73 = vector.shape_cast %broadcast_in_dim3A_1 : vector<16xf32> to vector<1x16xf32>
      tpu.vector_store %arg12[%swap3A, %swap3A_70], %swap3A_73 {strides = array<i32>} : memref<16x128xf32, #tpu.memory_space<vmem>>, vector<1x16xf32>,
    }
    %scan3A_5 = arith.constant 128 : i32
    %mul3A_6 = arith.constant 624 : i32
    %mul3A_7 = arith.muli %arg1, %mul3A_6 : i32
    %eq3A = arith.constant 15 : i32
    %eq3A_8 = arith.cmpi eq, %arg1, %eq3A : i32
    %jit3A = arith.constant 40 : i32
    %jit3A_9 = arith.constant 39 : i32
    %select_n3A = arith.select %eq3A_8, %jit3A, %jit3A_9 : i32
    %while3A = arith.constant 0 : i32
    %while3A_10 = arith.subi %select_n3A, %while3A : i32
    %while3A_11 = arith.addi %while3A, %while3A_10 : i32
    %while3A_12 = arith.constant 1 : i32
    %while3A_13 = arith.divsi %while3A_10, %while3A_12 : i32
    %while3A_14 = arith.muli %while3A_13, %while3A_12 : i32
    %while3A_15 = arith.addi %while3A, %while3A_14 : i32
    %while3A_16 = arith.constant 1 : i32
    scf.for %while3A_33 = %while3A to %while3A_15 step %while3A_16  : i32 {
      %mul3A_34 = arith.constant 16 : i32
      %mul3A_35 = arith.muli %while3A_33, %mul3A_34 : i32
      %add3A_36 = arith.addi %mul3A_7, %mul3A_35 : i32
      %multiple_of3A = tpu.assume_multiple %add3A_36, 8 : i32
      "tpu.region"() ({
        %run_scoped3A = tpu.sem_alloc : memref<!tpu.dma_semaphore, #tpu.memory_space<semaphore_mem>>
        %dma_start3A = arith.constant 0 : i32
        %dma_start3A_37 = tpu.memref_slice %arg7[%multiple_of3A, %dma_start3A] : memref<10000x128xf32, #tpu.memory_space<vmem_shared>> -> memref<16x128xf32, #tpu.memory_space<vmem_shared>>
        %dma_start3A_38 = arith.constant 0 : i32
        %dma_start3A_39 = tpu.memref_slice %arg7[%multiple_of3A, %dma_start3A_38] : memref<10000x128xf32, #tpu.memory_space<vmem_shared>> -> memref<16x128xf32, #tpu.memory_space<vmem_shared>>
        tpu.enqueue_dma source(%arg12 : memref<16x128xf32, #tpu.memory_space<vmem>>) target(%dma_start3A_39 : memref<16x128xf32, #tpu.memory_space<vmem_shared>>) target_semaphore(%run_scoped3A : memref<!tpu.dma_semaphore, #tpu.memory_space<semaphore_mem>>)
        %dma_wait3A = arith.constant 0 : i32
        %dma_wait3A_40 = tpu.memref_slice %arg7[%multiple_of3A, %dma_wait3A] : memref<10000x128xf32, #tpu.memory_space<vmem_shared>> -> memref<16x128xf32, #tpu.memory_space<vmem_shared>>
        %dma_wait3A_41 = arith.constant 0 : i32
        %dma_wait3A_42 = tpu.memref_slice %arg7[%multiple_of3A, %dma_wait3A_41] : memref<10000x128xf32, #tpu.memory_space<vmem_shared>> -> memref<16x128xf32, #tpu.memory_space<vmem_shared>>
        tpu.wait_dma2 semaphore(%run_scoped3A : memref<!tpu.dma_semaphore, #tpu.memory_space<semaphore_mem>>) src(%arg12 : memref<16x128xf32, #tpu.memory_space<vmem>>) dst(%dma_wait3A_42 : memref<16x128xf32, #tpu.memory_space<vmem_shared>>)
        tpu.yield
      }) : () -> ()
    }
    %while3A_17 = arith.constant 1 : i32
    scf.for %while3A_33 = %while3A_15 to %while3A_11 step %while3A_17  : i32 {
      %mul3A_34 = arith.constant 16 : i32
      %mul3A_35 = arith.muli %while3A_33, %mul3A_34 : i32
      %add3A_36 = arith.addi %mul3A_7, %mul3A_35 : i32
      %multiple_of3A = tpu.assume_multiple %add3A_36, 8 : i32
      "tpu.region"() ({
        %run_scoped3A = tpu.sem_alloc : memref<!tpu.dma_semaphore, #tpu.memory_space<semaphore_mem>>
        %dma_start3A = arith.constant 0 : i32
        %dma_start3A_37 = tpu.memref_slice %arg7[%multiple_of3A, %dma_start3A] : memref<10000x128xf32, #tpu.memory_space<vmem_shared>> -> memref<16x128xf32, #tpu.memory_space<vmem_shared>>
        %dma_start3A_38 = arith.constant 0 : i32
        %dma_start3A_39 = tpu.memref_slice %arg7[%multiple_of3A, %dma_start3A_38] : memref<10000x128xf32, #tpu.memory_space<vmem_shared>> -> memref<16x128xf32, #tpu.memory_space<vmem_shared>>
        tpu.enqueue_dma source(%arg12 : memref<16x128xf32, #tpu.memory_space<vmem>>) target(%dma_start3A_39 : memref<16x128xf32, #tpu.memory_space<vmem_shared>>) target_semaphore(%run_scoped3A : memref<!tpu.dma_semaphore, #tpu.memory_space<semaphore_mem>>)
        %dma_wait3A = arith.constant 0 : i32
        %dma_wait3A_40 = tpu.memref_slice %arg7[%multiple_of3A, %dma_wait3A] : memref<10000x128xf32, #tpu.memory_space<vmem_shared>> -> memref<16x128xf32, #tpu.memory_space<vmem_shared>>
        %dma_wait3A_41 = arith.constant 0 : i32
        %dma_wait3A_42 = tpu.memref_slice %arg7[%multiple_of3A, %dma_wait3A_41] : memref<10000x128xf32, #tpu.memory_space<vmem_shared>> -> memref<16x128xf32, #tpu.memory_space<vmem_shared>>
        tpu.wait_dma2 semaphore(%run_scoped3A : memref<!tpu.dma_semaphore, #tpu.memory_space<semaphore_mem>>) src(%arg12 : memref<16x128xf32, #tpu.memory_space<vmem>>) dst(%dma_wait3A_42 : memref<16x128xf32, #tpu.memory_space<vmem_shared>>)
        tpu.yield
      }) : () -> ()
    }
    %barrier3A = arith.constant 0 : index
    tpu.barrier barrier_id(%barrier3A)
    %mul3A_18 = arith.constant 10000 : i32
    %mul3A_19 = arith.muli %add3A, %mul3A_18 : i32
    %scan3A_20 = arith.constant 0 : i32
    %scan3A_21 = arith.constant 125 : i32
    %scan3A_22 = arith.addi %scan3A_20, %scan3A_21 : i32
    %scan3A_23 = arith.constant 1 : i32
    scf.for %scan3A_33 = %scan3A_20 to %scan3A_22 step %scan3A_23  : i32 {
      %mul3A_34 = arith.constant 80 : i32
      %mul3A_35 = arith.muli %scan3A_33, %mul3A_34 : i32
      %add3A_36 = arith.addi %mul3A_19, %mul3A_35 : i32
      %multiple_of3A = tpu.assume_multiple %add3A_36, 8 : i32
      "tpu.region"() ({
        %run_scoped3A = tpu.sem_alloc : memref<!tpu.dma_semaphore, #tpu.memory_space<semaphore_mem>>
        %dma_start3A_46 = tpu.memref_slice %arg3[%multiple_of3A] : memref<320000xi32, #tpu.memory_space<hbm>> -> memref<80xi32, #tpu.memory_space<hbm>>
        %dma_start3A_47 = tpu.memref_slice %arg3[%multiple_of3A] : memref<320000xi32, #tpu.memory_space<hbm>> -> memref<80xi32, #tpu.memory_space<hbm>>
        tpu.enqueue_dma source(%dma_start3A_47 : memref<80xi32, #tpu.memory_space<hbm>>) target(%arg8 : memref<80xi32, #tpu.memory_space<vmem>>) target_semaphore(%run_scoped3A : memref<!tpu.dma_semaphore, #tpu.memory_space<semaphore_mem>>)
        %dma_wait3A_48 = tpu.memref_slice %arg3[%multiple_of3A] : memref<320000xi32, #tpu.memory_space<hbm>> -> memref<80xi32, #tpu.memory_space<hbm>>
        %dma_wait3A_49 = tpu.memref_slice %arg3[%multiple_of3A] : memref<320000xi32, #tpu.memory_space<hbm>> -> memref<80xi32, #tpu.memory_space<hbm>>
        tpu.wait_dma2 semaphore(%run_scoped3A : memref<!tpu.dma_semaphore, #tpu.memory_space<semaphore_mem>>) src(%dma_wait3A_49 : memref<80xi32, #tpu.memory_space<hbm>>) dst(%arg8 : memref<80xi32, #tpu.memory_space<vmem>>)
        tpu.yield
      }) : () -> ()
      "tpu.region"() ({
        %run_scoped3A = tpu.sem_alloc : memref<!tpu.dma_semaphore, #tpu.memory_space<semaphore_mem>>
        %dma_start3A_46 = tpu.memref_slice %arg4[%multiple_of3A] : memref<320000xi32, #tpu.memory_space<hbm>> -> memref<80xi32, #tpu.memory_space<hbm>>
        %dma_start3A_47 = tpu.memref_slice %arg4[%multiple_of3A] : memref<320000xi32, #tpu.memory_space<hbm>> -> memref<80xi32, #tpu.memory_space<hbm>>
        tpu.enqueue_dma source(%dma_start3A_47 : memref<80xi32, #tpu.memory_space<hbm>>) target(%arg9 : memref<80xi32, #tpu.memory_space<vmem>>) target_semaphore(%run_scoped3A : memref<!tpu.dma_semaphore, #tpu.memory_space<semaphore_mem>>)
        %dma_wait3A_48 = tpu.memref_slice %arg4[%multiple_of3A] : memref<320000xi32, #tpu.memory_space<hbm>> -> memref<80xi32, #tpu.memory_space<hbm>>
        %dma_wait3A_49 = tpu.memref_slice %arg4[%multiple_of3A] : memref<320000xi32, #tpu.memory_space<hbm>> -> memref<80xi32, #tpu.memory_space<hbm>>
        tpu.wait_dma2 semaphore(%run_scoped3A : memref<!tpu.dma_semaphore, #tpu.memory_space<semaphore_mem>>) src(%dma_wait3A_49 : memref<80xi32, #tpu.memory_space<hbm>>) dst(%arg9 : memref<80xi32, #tpu.memory_space<vmem>>)
        tpu.yield
      }) : () -> ()
      %dma_start3A = arith.constant 0 : i32
      %dma_start3A_37 = arith.constant 0 : i32
      %dma_start3A_38 = tpu.memref_slice %arg2[%dma_start3A, %dma_start3A_37] : memref<10000x128xf32, #tpu.memory_space<hbm>> -> memref<10000x128xf32, #tpu.memory_space<hbm>>
      tpu.enqueue_indirect_dma source(%dma_start3A_38 : memref<10000x128xf32, #tpu.memory_space<hbm>>) target(%arg10 : memref<80x128xf32, #tpu.memory_space<vmem>>) offsets(%arg8 : memref<80xi32, #tpu.memory_space<vmem>>) semaphore(%arg13 : memref<!tpu.dma_semaphore, #tpu.memory_space<semaphore_mem>>)
      %dma_wait3A = arith.constant 0 : i32
      %dma_wait3A_39 = arith.constant 0 : i32
      %dma_wait3A_40 = tpu.memref_slice %arg2[%dma_wait3A, %dma_wait3A_39] : memref<10000x128xf32, #tpu.memory_space<hbm>> -> memref<10000x128xf32, #tpu.memory_space<hbm>>
      tpu.wait_indirect_dma semaphore(%arg13 : memref<!tpu.dma_semaphore, #tpu.memory_space<semaphore_mem>>) src(%dma_wait3A_40 : memref<10000x128xf32, #tpu.memory_space<hbm>>) dst(%arg10 : memref<80x128xf32, #tpu.memory_space<vmem>>)
      "tpu.region"() ({
        %run_scoped3A = tpu.sem_alloc : memref<!tpu.dma_semaphore, #tpu.memory_space<semaphore_mem>>
        %dma_start3A_46 = arith.constant 0 : i32
        %dma_start3A_47 = tpu.memref_slice %arg5[%multiple_of3A, %dma_start3A_46] : memref<320000x128xf32, #tpu.memory_space<hbm>> -> memref<80x128xf32, #tpu.memory_space<hbm>>
        %dma_start3A_48 = arith.constant 0 : i32
        %dma_start3A_49 = tpu.memref_slice %arg5[%multiple_of3A, %dma_start3A_48] : memref<320000x128xf32, #tpu.memory_space<hbm>> -> memref<80x128xf32, #tpu.memory_space<hbm>>
        tpu.enqueue_dma source(%dma_start3A_49 : memref<80x128xf32, #tpu.memory_space<hbm>>) target(%arg11 : memref<80x128xf32, #tpu.memory_space<vmem>>) target_semaphore(%run_scoped3A : memref<!tpu.dma_semaphore, #tpu.memory_space<semaphore_mem>>)
        %dma_wait3A_50 = arith.constant 0 : i32
        %dma_wait3A_51 = tpu.memref_slice %arg5[%multiple_of3A, %dma_wait3A_50] : memref<320000x128xf32, #tpu.memory_space<hbm>> -> memref<80x128xf32, #tpu.memory_space<hbm>>
        %dma_wait3A_52 = arith.constant 0 : i32
        %dma_wait3A_53 = tpu.memref_slice %arg5[%multiple_of3A, %dma_wait3A_52] : memref<320000x128xf32, #tpu.memory_space<hbm>> -> memref<80x128xf32, #tpu.memory_space<hbm>>
        tpu.wait_dma2 semaphore(%run_scoped3A : memref<!tpu.dma_semaphore, #tpu.memory_space<semaphore_mem>>) src(%dma_wait3A_53 : memref<80x128xf32, #tpu.memory_space<hbm>>) dst(%arg11 : memref<80x128xf32, #tpu.memory_space<vmem>>)
        tpu.yield
      }) : () -> ()
      %scan3A_41 = arith.constant 0 : i32
      %scan3A_42 = arith.constant 640 : i32
      %scan3A_43 = arith.addi %scan3A_41, %scan3A_42 : i32
      %scan3A_44 = arith.constant 1 : i32
      scf.for %scan3A_46 = %scan3A_41 to %scan3A_43 step %scan3A_44  : i32 {
        %jit3A_47 = arith.constant 8 : i32
        %div3A = arith.divsi %scan3A_46, %jit3A_47 : i32
        %sign3A = arith.constant 0 : i32
        %sign3A_48 = arith.cmpi sgt, %scan3A_46, %sign3A : i32
        %sign3A_49 = arith.extui %sign3A_48 : i1 to i32
        %sign3A_50 = arith.constant 0 : i32
        %sign3A_51 = arith.cmpi slt, %scan3A_46, %sign3A_50 : i32
        %sign3A_52 = arith.extui %sign3A_51 : i1 to i32
        %sign3A_53 = arith.subi %sign3A_49, %sign3A_52 : i32
        %sign3A_54 = arith.constant 0 : i32
        %sign3A_55 = arith.cmpi sgt, %jit3A_47, %sign3A_54 : i32
        %sign3A_56 = arith.extui %sign3A_55 : i1 to i32
        %sign3A_57 = arith.constant 0 : i32
        %sign3A_58 = arith.cmpi slt, %jit3A_47, %sign3A_57 : i32
        %sign3A_59 = arith.extui %sign3A_58 : i1 to i32
        %sign3A_60 = arith.subi %sign3A_56, %sign3A_59 : i32
        %ne3A = arith.cmpi ne, %sign3A_53, %sign3A_60 : i32
        %rem3A = arith.remsi %scan3A_46, %jit3A_47 : i32
        %ne3A_61 = arith.constant 0 : i32
        %ne3A_62 = arith.cmpi ne, %rem3A, %ne3A_61 : i32
        %and3A = arith.andi %ne3A, %ne3A_62 : i1
        %sub3A = arith.constant 1 : i32
        %sub3A_63 = arith.subi %div3A, %sub3A : i32
        %select_n3A_64 = arith.select %and3A, %sub3A_63, %div3A : i32
        %jit3A_65 = arith.constant 8 : i32
        %eq3A_66 = arith.constant 0 : i32
        %eq3A_67 = arith.cmpi eq, %jit3A_65, %eq3A_66 : i32
        %jit3A_68 = arith.constant 1 : i32
        %select_n3A_69 = arith.select %eq3A_67, %jit3A_68, %jit3A_65 : i32
        %rem3A_70 = arith.remsi %scan3A_46, %select_n3A_69 : i32
        %ne3A_71 = arith.constant 0 : i32
        %ne3A_72 = arith.cmpi ne, %rem3A_70, %ne3A_71 : i32
        %lt3A_73 = arith.constant 0 : i32
        %lt3A_74 = arith.cmpi slt, %rem3A_70, %lt3A_73 : i32
        %lt3A_75 = arith.constant 0 : i32
        %lt3A_76 = arith.cmpi slt, %select_n3A_69, %lt3A_75 : i32
        %ne3A_77 = arith.xori %lt3A_74, %lt3A_76 : i1
        %and3A_78 = arith.andi %ne3A_77, %ne3A_72 : i1
        %add3A_79 = arith.addi %rem3A_70, %select_n3A_69 : i32
        %select_n3A_80 = arith.select %and3A_78, %add3A_79, %rem3A_70 : i32
        %mul3A_81 = arith.constant 16 : i32
        %mul3A_82 = arith.muli %select_n3A_80, %mul3A_81 : i32
        %get3A = arith.index_cast %select_n3A_64 : i32 to index
        %get3A_83 = arith.index_cast %mul3A_82 : i32 to index
        %get3A_84 = tpu.vector_load %arg11[%get3A, %get3A_83] {strides = array<i32>} : memref<80x128xf32, #tpu.memory_space<vmem>>, vector<1x16xf32>,
        %get3A_85 = vector.shape_cast %get3A_84 : vector<1x16xf32> to vector<16xf32>
        %neg3A = arith.constant 0.000000e+00 : f32
        %neg3A_86 = vector.broadcast %neg3A : f32 to vector<16xf32>
        %neg3A_87 = arith.subf %neg3A_86, %get3A_85 : vector<16xf32>
        %exp3A = math.exp %neg3A_87 : vector<16xf32>
        %add3A_88 = arith.constant 1.000000e+00 : f32
        %add3A_89 = vector.broadcast %add3A_88 : f32 to vector<16xf32>
        %add3A_90 = arith.addf %add3A_89, %exp3A : vector<16xf32>
        %div3A_91 = arith.constant 1.000000e+00 : f32
        %div3A_92 = vector.broadcast %div3A_91 : f32 to vector<16xf32>
        %div3A_93 = arith.divf %div3A_92, %add3A_90 : vector<16xf32>
        %get3A_94 = arith.index_cast %select_n3A_64 : i32 to index
        %get3A_95 = arith.index_cast %mul3A_82 : i32 to index
        %get3A_96 = tpu.vector_load %arg10[%get3A_94, %get3A_95] {strides = array<i32>} : memref<80x128xf32, #tpu.memory_space<vmem>>, vector<1x16xf32>,
        %get3A_97 = vector.shape_cast %get3A_96 : vector<1x16xf32> to vector<16xf32>
        %mul3A_98 = arith.mulf %get3A_97, %div3A_93 : vector<16xf32>
        %swap3A = arith.index_cast %select_n3A_64 : i32 to index
        %swap3A_99 = arith.index_cast %mul3A_82 : i32 to index
        %swap3A_100 = tpu.vector_load %arg10[%swap3A, %swap3A_99] {strides = array<i32>} : memref<80x128xf32, #tpu.memory_space<vmem>>, vector<1x16xf32>,
        %swap3A_101 = vector.shape_cast %swap3A_100 : vector<1x16xf32> to vector<16xf32>
        %swap3A_102 = vector.shape_cast %mul3A_98 : vector<16xf32> to vector<1x16xf32>
        tpu.vector_store %arg10[%swap3A, %swap3A_99], %swap3A_102 {strides = array<i32>} : memref<80x128xf32, #tpu.memory_space<vmem>>, vector<1x16xf32>,
      }
      %scan3A_45 = arith.constant 640 : i32
      "tpu.region"() ({
        %run_scoped3A = tpu.sem_alloc : memref<!tpu.dma_semaphore, #tpu.memory_space<semaphore_mem>>
        %dma_start3A_46 = arith.constant 0 : i32
        %dma_start3A_47 = arith.constant 0 : i32
        %dma_start3A_48 = tpu.memref_slice %arg7[%dma_start3A_46, %dma_start3A_47] : memref<10000x128xf32, #tpu.memory_space<vmem_shared>> -> memref<10000x128xf32, #tpu.memory_space<vmem_shared>>
        tpu.enqueue_indirect_dma source(%arg10 : memref<80x128xf32, #tpu.memory_space<vmem>>) target(%dma_start3A_48 : memref<10000x128xf32, #tpu.memory_space<vmem_shared>>) offsets(%arg9 : memref<80xi32, #tpu.memory_space<vmem>>) semaphore(%run_scoped3A : memref<!tpu.dma_semaphore, #tpu.memory_space<semaphore_mem>>) {add = true}
        %dma_wait3A_49 = arith.constant 0 : i32
        %dma_wait3A_50 = arith.constant 0 : i32
        %dma_wait3A_51 = tpu.memref_slice %arg7[%dma_wait3A_49, %dma_wait3A_50] : memref<10000x128xf32, #tpu.memory_space<vmem_shared>> -> memref<10000x128xf32, #tpu.memory_space<vmem_shared>>
        tpu.wait_indirect_dma semaphore(%run_scoped3A : memref<!tpu.dma_semaphore, #tpu.memory_space<semaphore_mem>>) src(%arg10 : memref<80x128xf32, #tpu.memory_space<vmem>>) dst(%dma_wait3A_51 : memref<10000x128xf32, #tpu.memory_space<vmem_shared>>)
        tpu.yield
      }) : () -> ()
    }
    %scan3A_24 = arith.constant 125 : i32
    %barrier3A_25 = arith.constant 0 : index
    tpu.barrier barrier_id(%barrier3A_25)
    %lt3A = arith.constant 15 : i32
    %lt3A_26 = arith.cmpi slt, %arg1, %lt3A : i32
    %convert_element_type3A = arith.extui %lt3A_26 : i1 to i32
    %cond3A = arith.constant 0 : i32
    %cond3A_27 = arith.cmpi ne, %convert_element_type3A, %cond3A : i32
    scf.if %cond3A_27 {
      %multiple_of3A = tpu.assume_multiple %mul3A_7, 8 : i32
      "tpu.region"() ({
        %run_scoped3A = tpu.sem_alloc : memref<!tpu.dma_semaphore, #tpu.memory_space<semaphore_mem>>
        %dma_start3A = arith.constant 0 : i32
        %dma_start3A_33 = tpu.memref_slice %arg6[%arg0, %multiple_of3A, %dma_start3A] : memref<2x10000x128xf32, #tpu.memory_space<hbm>> -> memref<1x624x128xf32, #tpu.memory_space<hbm>>
        %dma_start3A_34 = tpu.memref_squeeze %dma_start3A_33 : memref<1x624x128xf32, #tpu.memory_space<hbm>> -> memref<624x128xf32, #tpu.memory_space<hbm>>
        %dma_start3A_35 = arith.constant 0 : i32
        %dma_start3A_36 = tpu.memref_slice %arg7[%multiple_of3A, %dma_start3A_35] : memref<10000x128xf32, #tpu.memory_space<vmem_shared>> -> memref<624x128xf32, #tpu.memory_space<vmem_shared>>
        tpu.enqueue_dma source(%dma_start3A_36 : memref<624x128xf32, #tpu.memory_space<vmem_shared>>) target(%dma_start3A_34 : memref<624x128xf32, #tpu.memory_space<hbm>>) target_semaphore(%run_scoped3A : memref<!tpu.dma_semaphore, #tpu.memory_space<semaphore_mem>>)
        %dma_wait3A = arith.constant 0 : i32
        %dma_wait3A_37 = tpu.memref_slice %arg6[%arg0, %multiple_of3A, %dma_wait3A] : memref<2x10000x128xf32, #tpu.memory_space<hbm>> -> memref<1x624x128xf32, #tpu.memory_space<hbm>>
        %dma_wait3A_38 = tpu.memref_squeeze %dma_wait3A_37 : memref<1x624x128xf32, #tpu.memory_space<hbm>> -> memref<624x128xf32, #tpu.memory_space<hbm>>
        %dma_wait3A_39 = arith.constant 0 : i32
        %dma_wait3A_40 = tpu.memref_slice %arg7[%multiple_of3A, %dma_wait3A_39] : memref<10000x128xf32, #tpu.memory_space<vmem_shared>> -> memref<624x128xf32, #tpu.memory_space<vmem_shared>>
        tpu.wait_dma2 semaphore(%run_scoped3A : memref<!tpu.dma_semaphore, #tpu.memory_space<semaphore_mem>>) src(%dma_wait3A_40 : memref<624x128xf32, #tpu.memory_space<vmem_shared>>) dst(%dma_wait3A_38 : memref<624x128xf32, #tpu.memory_space<hbm>>)
        tpu.yield
      }) : () -> ()
    } else {
    }
    %eq3A_28 = arith.constant 15 : i32
    %eq3A_29 = arith.cmpi eq, %arg1, %eq3A_28 : i32
    %convert_element_type3A_30 = arith.extui %eq3A_29 : i1 to i32
    %cond3A_31 = arith.constant 0 : i32
    %cond3A_32 = arith.cmpi ne, %convert_element_type3A_30, %cond3A_31 : i32
    scf.if %cond3A_32 {
      "tpu.region"() ({
        %run_scoped3A = tpu.sem_alloc : memref<!tpu.dma_semaphore, #tpu.memory_space<semaphore_mem>>
        %dma_start3A = arith.constant 9360 : i32
        %dma_start3A_33 = arith.constant 0 : i32
        %dma_start3A_34 = tpu.memref_slice %arg6[%arg0, %dma_start3A, %dma_start3A_33] : memref<2x10000x128xf32, #tpu.memory_space<hbm>> -> memref<1x640x128xf32, #tpu.memory_space<hbm>>
        %dma_start3A_35 = tpu.memref_squeeze %dma_start3A_34 : memref<1x640x128xf32, #tpu.memory_space<hbm>> -> memref<640x128xf32, #tpu.memory_space<hbm>>
        %dma_start3A_36 = arith.constant 9360 : i32
        %dma_start3A_37 = arith.constant 0 : i32
        %dma_start3A_38 = tpu.memref_slice %arg7[%dma_start3A_36, %dma_start3A_37] : memref<10000x128xf32, #tpu.memory_space<vmem_shared>> -> memref<640x128xf32, #tpu.memory_space<vmem_shared>>
        tpu.enqueue_dma source(%dma_start3A_38 : memref<640x128xf32, #tpu.memory_space<vmem_shared>>) target(%dma_start3A_35 : memref<640x128xf32, #tpu.memory_space<hbm>>) target_semaphore(%run_scoped3A : memref<!tpu.dma_semaphore, #tpu.memory_space<semaphore_mem>>)
        %dma_wait3A = arith.constant 9360 : i32
        %dma_wait3A_39 = arith.constant 0 : i32
        %dma_wait3A_40 = tpu.memref_slice %arg6[%arg0, %dma_wait3A, %dma_wait3A_39] : memref<2x10000x128xf32, #tpu.memory_space<hbm>> -> memref<1x640x128xf32, #tpu.memory_space<hbm>>
        %dma_wait3A_41 = tpu.memref_squeeze %dma_wait3A_40 : memref<1x640x128xf32, #tpu.memory_space<hbm>> -> memref<640x128xf32, #tpu.memory_space<hbm>>
        %dma_wait3A_42 = arith.constant 9360 : i32
        %dma_wait3A_43 = arith.constant 0 : i32
        %dma_wait3A_44 = tpu.memref_slice %arg7[%dma_wait3A_42, %dma_wait3A_43] : memref<10000x128xf32, #tpu.memory_space<vmem_shared>> -> memref<640x128xf32, #tpu.memory_space<vmem_shared>>
        tpu.wait_dma2 semaphore(%run_scoped3A : memref<!tpu.dma_semaphore, #tpu.memory_space<semaphore_mem>>) src(%dma_wait3A_44 : memref<640x128xf32, #tpu.memory_space<vmem_shared>>) dst(%dma_wait3A_41 : memref<640x128xf32, #tpu.memory_space<hbm>>)
        tpu.yield
      }) : () -> ()
    } else {
    }
    return
  }
}

#map = affine_map<(d0, d1) -> (0, 0)>
#map1 = affine_map<(d0, d1) -> (0)>
#map2 = affine_map<(d0, d1) -> (0, 0, 0)>
module attributes {stable_mosaic.version = 14 : i64} {
  func.func @_sc_agg_body(%arg0: i32, %arg1: i32, %arg2: memref<10000x128xf32, #tpu.memory_space<hbm>>, %arg3: memref<320000xi32, #tpu.memory_space<hbm>>, %arg4: memref<320000xi32, #tpu.memory_space<hbm>>, %arg5: memref<320000x128xf32, #tpu.memory_space<hbm>>, %arg6: memref<2x10000x128xf32, #tpu.memory_space<hbm>>, %arg7: memref<10000x128xf32, #tpu.memory_space<vmem_shared>>, %arg8: memref<80xi32, #tpu.memory_space<vmem>>, %arg9: memref<80xi32, #tpu.memory_space<vmem>>, %arg10: memref<80x128xf32, #tpu.memory_space<vmem>>, %arg11: memref<80x128xf32, #tpu.memory_space<vmem>>, %arg12: memref<16x128xf32, #tpu.memory_space<vmem>>, %arg13: memref<!tpu.dma_semaphore, #tpu.memory_space<semaphore_mem>>) attributes {dimension_semantics = [#tpu.dimension_semantics<core_parallel>, #tpu.dimension_semantics<subcore_parallel>], iteration_bounds = array<i64: 2, 16>, scalar_prefetch = 0 : i64, scratch_operands = 7 : i64, tpu.core_type = #tpu.core_type<sc_vector_subcore>, window_params = [{transform_indices = #map}, {transform_indices = #map1}, {transform_indices = #map1}, {transform_indices = #map}, {transform_indices = #map2}]} {
    %mul3A = arith.constant 2 : i32
    %mul3A_0 = arith.muli %arg1, %mul3A : i32
    %add3A = arith.addi %mul3A_0, %arg0 : i32
    %broadcast_in_dim3A = arith.constant 0.000000e+00 : f32
    %broadcast_in_dim3A_1 = vector.broadcast %broadcast_in_dim3A : f32 to vector<16xf32>
    %scan3A = arith.constant 0 : i32
    %scan3A_2 = arith.constant 128 : i32
    %scan3A_3 = arith.addi %scan3A, %scan3A_2 : i32
    %scan3A_4 = arith.constant 1 : i32
    scf.for %scan3A_33 = %scan3A to %scan3A_3 step %scan3A_4  : i32 {
      %jit3A_34 = arith.constant 8 : i32
      %div3A = arith.divsi %scan3A_33, %jit3A_34 : i32
      %sign3A = arith.constant 0 : i32
      %sign3A_35 = arith.cmpi sgt, %scan3A_33, %sign3A : i32
      %sign3A_36 = arith.extui %sign3A_35 : i1 to i32
      %sign3A_37 = arith.constant 0 : i32
      %sign3A_38 = arith.cmpi slt, %scan3A_33, %sign3A_37 : i32
      %sign3A_39 = arith.extui %sign3A_38 : i1 to i32
      %sign3A_40 = arith.subi %sign3A_36, %sign3A_39 : i32
      %sign3A_41 = arith.constant 0 : i32
      %sign3A_42 = arith.cmpi sgt, %jit3A_34, %sign3A_41 : i32
      %sign3A_43 = arith.extui %sign3A_42 : i1 to i32
      %sign3A_44 = arith.constant 0 : i32
      %sign3A_45 = arith.cmpi slt, %jit3A_34, %sign3A_44 : i32
      %sign3A_46 = arith.extui %sign3A_45 : i1 to i32
      %sign3A_47 = arith.subi %sign3A_43, %sign3A_46 : i32
      %ne3A = arith.cmpi ne, %sign3A_40, %sign3A_47 : i32
      %rem3A = arith.remsi %scan3A_33, %jit3A_34 : i32
      %ne3A_48 = arith.constant 0 : i32
      %ne3A_49 = arith.cmpi ne, %rem3A, %ne3A_48 : i32
      %and3A = arith.andi %ne3A, %ne3A_49 : i1
      %sub3A = arith.constant 1 : i32
      %sub3A_50 = arith.subi %div3A, %sub3A : i32
      %select_n3A_51 = arith.select %and3A, %sub3A_50, %div3A : i32
      %jit3A_52 = arith.constant 8 : i32
      %eq3A_53 = arith.constant 0 : i32
      %eq3A_54 = arith.cmpi eq, %jit3A_52, %eq3A_53 : i32
      %jit3A_55 = arith.constant 1 : i32
      %select_n3A_56 = arith.select %eq3A_54, %jit3A_55, %jit3A_52 : i32
      %rem3A_57 = arith.remsi %scan3A_33, %select_n3A_56 : i32
      %ne3A_58 = arith.constant 0 : i32
      %ne3A_59 = arith.cmpi ne, %rem3A_57, %ne3A_58 : i32
      %lt3A_60 = arith.constant 0 : i32
      %lt3A_61 = arith.cmpi slt, %rem3A_57, %lt3A_60 : i32
      %lt3A_62 = arith.constant 0 : i32
      %lt3A_63 = arith.cmpi slt, %select_n3A_56, %lt3A_62 : i32
      %ne3A_64 = arith.xori %lt3A_61, %lt3A_63 : i1
      %and3A_65 = arith.andi %ne3A_64, %ne3A_59 : i1
      %add3A_66 = arith.addi %rem3A_57, %select_n3A_56 : i32
      %select_n3A_67 = arith.select %and3A_65, %add3A_66, %rem3A_57 : i32
      %mul3A_68 = arith.constant 16 : i32
      %mul3A_69 = arith.muli %select_n3A_67, %mul3A_68 : i32
      %swap3A = arith.index_cast %select_n3A_51 : i32 to index
      %swap3A_70 = arith.index_cast %mul3A_69 : i32 to index
      %swap3A_71 = tpu.vector_load %arg12[%swap3A, %swap3A_70] {strides = array<i32>} : memref<16x128xf32, #tpu.memory_space<vmem>>, vector<1x16xf32>,
      %swap3A_72 = vector.shape_cast %swap3A_71 : vector<1x16xf32> to vector<16xf32>
      %swap3A_73 = vector.shape_cast %broadcast_in_dim3A_1 : vector<16xf32> to vector<1x16xf32>
      tpu.vector_store %arg12[%swap3A, %swap3A_70], %swap3A_73 {strides = array<i32>} : memref<16x128xf32, #tpu.memory_space<vmem>>, vector<1x16xf32>,
    }
    %scan3A_5 = arith.constant 128 : i32
    %mul3A_6 = arith.constant 624 : i32
    %mul3A_7 = arith.muli %arg1, %mul3A_6 : i32
    %eq3A = arith.constant 15 : i32
    %eq3A_8 = arith.cmpi eq, %arg1, %eq3A : i32
    %jit3A = arith.constant 40 : i32
    %jit3A_9 = arith.constant 39 : i32
    %select_n3A = arith.select %eq3A_8, %jit3A, %jit3A_9 : i32
    %while3A = arith.constant 0 : i32
    %while3A_10 = arith.subi %select_n3A, %while3A : i32
    %while3A_11 = arith.addi %while3A, %while3A_10 : i32
    %while3A_12 = arith.constant 1 : i32
    %while3A_13 = arith.divsi %while3A_10, %while3A_12 : i32
    %while3A_14 = arith.muli %while3A_13, %while3A_12 : i32
    %while3A_15 = arith.addi %while3A, %while3A_14 : i32
    %while3A_16 = arith.constant 1 : i32
    scf.for %while3A_33 = %while3A to %while3A_15 step %while3A_16  : i32 {
      %mul3A_34 = arith.constant 16 : i32
      %mul3A_35 = arith.muli %while3A_33, %mul3A_34 : i32
      %add3A_36 = arith.addi %mul3A_7, %mul3A_35 : i32
      %multiple_of3A = tpu.assume_multiple %add3A_36, 8 : i32
      "tpu.region"() ({
        %run_scoped3A = tpu.sem_alloc : memref<!tpu.dma_semaphore, #tpu.memory_space<semaphore_mem>>
        %dma_start3A = arith.constant 0 : i32
        %dma_start3A_37 = tpu.memref_slice %arg7[%multiple_of3A, %dma_start3A] : memref<10000x128xf32, #tpu.memory_space<vmem_shared>> -> memref<16x128xf32, #tpu.memory_space<vmem_shared>>
        %dma_start3A_38 = arith.constant 0 : i32
        %dma_start3A_39 = tpu.memref_slice %arg7[%multiple_of3A, %dma_start3A_38] : memref<10000x128xf32, #tpu.memory_space<vmem_shared>> -> memref<16x128xf32, #tpu.memory_space<vmem_shared>>
        tpu.enqueue_dma source(%arg12 : memref<16x128xf32, #tpu.memory_space<vmem>>) target(%dma_start3A_39 : memref<16x128xf32, #tpu.memory_space<vmem_shared>>) target_semaphore(%run_scoped3A : memref<!tpu.dma_semaphore, #tpu.memory_space<semaphore_mem>>)
        %dma_wait3A = arith.constant 0 : i32
        %dma_wait3A_40 = tpu.memref_slice %arg7[%multiple_of3A, %dma_wait3A] : memref<10000x128xf32, #tpu.memory_space<vmem_shared>> -> memref<16x128xf32, #tpu.memory_space<vmem_shared>>
        %dma_wait3A_41 = arith.constant 0 : i32
        %dma_wait3A_42 = tpu.memref_slice %arg7[%multiple_of3A, %dma_wait3A_41] : memref<10000x128xf32, #tpu.memory_space<vmem_shared>> -> memref<16x128xf32, #tpu.memory_space<vmem_shared>>
        tpu.wait_dma2 semaphore(%run_scoped3A : memref<!tpu.dma_semaphore, #tpu.memory_space<semaphore_mem>>) src(%arg12 : memref<16x128xf32, #tpu.memory_space<vmem>>) dst(%dma_wait3A_42 : memref<16x128xf32, #tpu.memory_space<vmem_shared>>)
        tpu.yield
      }) : () -> ()
    }
    %while3A_17 = arith.constant 1 : i32
    scf.for %while3A_33 = %while3A_15 to %while3A_11 step %while3A_17  : i32 {
      %mul3A_34 = arith.constant 16 : i32
      %mul3A_35 = arith.muli %while3A_33, %mul3A_34 : i32
      %add3A_36 = arith.addi %mul3A_7, %mul3A_35 : i32
      %multiple_of3A = tpu.assume_multiple %add3A_36, 8 : i32
      "tpu.region"() ({
        %run_scoped3A = tpu.sem_alloc : memref<!tpu.dma_semaphore, #tpu.memory_space<semaphore_mem>>
        %dma_start3A = arith.constant 0 : i32
        %dma_start3A_37 = tpu.memref_slice %arg7[%multiple_of3A, %dma_start3A] : memref<10000x128xf32, #tpu.memory_space<vmem_shared>> -> memref<16x128xf32, #tpu.memory_space<vmem_shared>>
        %dma_start3A_38 = arith.constant 0 : i32
        %dma_start3A_39 = tpu.memref_slice %arg7[%multiple_of3A, %dma_start3A_38] : memref<10000x128xf32, #tpu.memory_space<vmem_shared>> -> memref<16x128xf32, #tpu.memory_space<vmem_shared>>
        tpu.enqueue_dma source(%arg12 : memref<16x128xf32, #tpu.memory_space<vmem>>) target(%dma_start3A_39 : memref<16x128xf32, #tpu.memory_space<vmem_shared>>) target_semaphore(%run_scoped3A : memref<!tpu.dma_semaphore, #tpu.memory_space<semaphore_mem>>)
        %dma_wait3A = arith.constant 0 : i32
        %dma_wait3A_40 = tpu.memref_slice %arg7[%multiple_of3A, %dma_wait3A] : memref<10000x128xf32, #tpu.memory_space<vmem_shared>> -> memref<16x128xf32, #tpu.memory_space<vmem_shared>>
        %dma_wait3A_41 = arith.constant 0 : i32
        %dma_wait3A_42 = tpu.memref_slice %arg7[%multiple_of3A, %dma_wait3A_41] : memref<10000x128xf32, #tpu.memory_space<vmem_shared>> -> memref<16x128xf32, #tpu.memory_space<vmem_shared>>
        tpu.wait_dma2 semaphore(%run_scoped3A : memref<!tpu.dma_semaphore, #tpu.memory_space<semaphore_mem>>) src(%arg12 : memref<16x128xf32, #tpu.memory_space<vmem>>) dst(%dma_wait3A_42 : memref<16x128xf32, #tpu.memory_space<vmem_shared>>)
        tpu.yield
      }) : () -> ()
    }
    %barrier3A = arith.constant 0 : index
    tpu.barrier barrier_id(%barrier3A)
    %mul3A_18 = arith.constant 10000 : i32
    %mul3A_19 = arith.muli %add3A, %mul3A_18 : i32
    %scan3A_20 = arith.constant 0 : i32
    %scan3A_21 = arith.constant 125 : i32
    %scan3A_22 = arith.addi %scan3A_20, %scan3A_21 : i32
    %scan3A_23 = arith.constant 1 : i32
    scf.for %scan3A_33 = %scan3A_20 to %scan3A_22 step %scan3A_23  : i32 {
      %mul3A_34 = arith.constant 80 : i32
      %mul3A_35 = arith.muli %scan3A_33, %mul3A_34 : i32
      %add3A_36 = arith.addi %mul3A_19, %mul3A_35 : i32
      %multiple_of3A = tpu.assume_multiple %add3A_36, 8 : i32
      "tpu.region"() ({
        %run_scoped3A = tpu.sem_alloc : memref<!tpu.dma_semaphore, #tpu.memory_space<semaphore_mem>>
        %dma_start3A_46 = tpu.memref_slice %arg3[%multiple_of3A] : memref<320000xi32, #tpu.memory_space<hbm>> -> memref<80xi32, #tpu.memory_space<hbm>>
        %dma_start3A_47 = tpu.memref_slice %arg3[%multiple_of3A] : memref<320000xi32, #tpu.memory_space<hbm>> -> memref<80xi32, #tpu.memory_space<hbm>>
        tpu.enqueue_dma source(%dma_start3A_47 : memref<80xi32, #tpu.memory_space<hbm>>) target(%arg8 : memref<80xi32, #tpu.memory_space<vmem>>) target_semaphore(%run_scoped3A : memref<!tpu.dma_semaphore, #tpu.memory_space<semaphore_mem>>)
        %dma_wait3A_48 = tpu.memref_slice %arg3[%multiple_of3A] : memref<320000xi32, #tpu.memory_space<hbm>> -> memref<80xi32, #tpu.memory_space<hbm>>
        %dma_wait3A_49 = tpu.memref_slice %arg3[%multiple_of3A] : memref<320000xi32, #tpu.memory_space<hbm>> -> memref<80xi32, #tpu.memory_space<hbm>>
        tpu.wait_dma2 semaphore(%run_scoped3A : memref<!tpu.dma_semaphore, #tpu.memory_space<semaphore_mem>>) src(%dma_wait3A_49 : memref<80xi32, #tpu.memory_space<hbm>>) dst(%arg8 : memref<80xi32, #tpu.memory_space<vmem>>)
        tpu.yield
      }) : () -> ()
      "tpu.region"() ({
        %run_scoped3A = tpu.sem_alloc : memref<!tpu.dma_semaphore, #tpu.memory_space<semaphore_mem>>
        %dma_start3A_46 = tpu.memref_slice %arg4[%multiple_of3A] : memref<320000xi32, #tpu.memory_space<hbm>> -> memref<80xi32, #tpu.memory_space<hbm>>
        %dma_start3A_47 = tpu.memref_slice %arg4[%multiple_of3A] : memref<320000xi32, #tpu.memory_space<hbm>> -> memref<80xi32, #tpu.memory_space<hbm>>
        tpu.enqueue_dma source(%dma_start3A_47 : memref<80xi32, #tpu.memory_space<hbm>>) target(%arg9 : memref<80xi32, #tpu.memory_space<vmem>>) target_semaphore(%run_scoped3A : memref<!tpu.dma_semaphore, #tpu.memory_space<semaphore_mem>>)
        %dma_wait3A_48 = tpu.memref_slice %arg4[%multiple_of3A] : memref<320000xi32, #tpu.memory_space<hbm>> -> memref<80xi32, #tpu.memory_space<hbm>>
        %dma_wait3A_49 = tpu.memref_slice %arg4[%multiple_of3A] : memref<320000xi32, #tpu.memory_space<hbm>> -> memref<80xi32, #tpu.memory_space<hbm>>
        tpu.wait_dma2 semaphore(%run_scoped3A : memref<!tpu.dma_semaphore, #tpu.memory_space<semaphore_mem>>) src(%dma_wait3A_49 : memref<80xi32, #tpu.memory_space<hbm>>) dst(%arg9 : memref<80xi32, #tpu.memory_space<vmem>>)
        tpu.yield
      }) : () -> ()
      %dma_start3A = arith.constant 0 : i32
      %dma_start3A_37 = arith.constant 0 : i32
      %dma_start3A_38 = tpu.memref_slice %arg2[%dma_start3A, %dma_start3A_37] : memref<10000x128xf32, #tpu.memory_space<hbm>> -> memref<10000x128xf32, #tpu.memory_space<hbm>>
      tpu.enqueue_indirect_dma source(%dma_start3A_38 : memref<10000x128xf32, #tpu.memory_space<hbm>>) target(%arg10 : memref<80x128xf32, #tpu.memory_space<vmem>>) offsets(%arg8 : memref<80xi32, #tpu.memory_space<vmem>>) semaphore(%arg13 : memref<!tpu.dma_semaphore, #tpu.memory_space<semaphore_mem>>)
      %dma_wait3A = arith.constant 0 : i32
      %dma_wait3A_39 = arith.constant 0 : i32
      %dma_wait3A_40 = tpu.memref_slice %arg2[%dma_wait3A, %dma_wait3A_39] : memref<10000x128xf32, #tpu.memory_space<hbm>> -> memref<10000x128xf32, #tpu.memory_space<hbm>>
      tpu.wait_indirect_dma semaphore(%arg13 : memref<!tpu.dma_semaphore, #tpu.memory_space<semaphore_mem>>) src(%dma_wait3A_40 : memref<10000x128xf32, #tpu.memory_space<hbm>>) dst(%arg10 : memref<80x128xf32, #tpu.memory_space<vmem>>)
      "tpu.region"() ({
        %run_scoped3A = tpu.sem_alloc : memref<!tpu.dma_semaphore, #tpu.memory_space<semaphore_mem>>
        %dma_start3A_46 = arith.constant 0 : i32
        %dma_start3A_47 = tpu.memref_slice %arg5[%multiple_of3A, %dma_start3A_46] : memref<320000x128xf32, #tpu.memory_space<hbm>> -> memref<80x128xf32, #tpu.memory_space<hbm>>
        %dma_start3A_48 = arith.constant 0 : i32
        %dma_start3A_49 = tpu.memref_slice %arg5[%multiple_of3A, %dma_start3A_48] : memref<320000x128xf32, #tpu.memory_space<hbm>> -> memref<80x128xf32, #tpu.memory_space<hbm>>
        tpu.enqueue_dma source(%dma_start3A_49 : memref<80x128xf32, #tpu.memory_space<hbm>>) target(%arg11 : memref<80x128xf32, #tpu.memory_space<vmem>>) target_semaphore(%run_scoped3A : memref<!tpu.dma_semaphore, #tpu.memory_space<semaphore_mem>>)
        %dma_wait3A_50 = arith.constant 0 : i32
        %dma_wait3A_51 = tpu.memref_slice %arg5[%multiple_of3A, %dma_wait3A_50] : memref<320000x128xf32, #tpu.memory_space<hbm>> -> memref<80x128xf32, #tpu.memory_space<hbm>>
        %dma_wait3A_52 = arith.constant 0 : i32
        %dma_wait3A_53 = tpu.memref_slice %arg5[%multiple_of3A, %dma_wait3A_52] : memref<320000x128xf32, #tpu.memory_space<hbm>> -> memref<80x128xf32, #tpu.memory_space<hbm>>
        tpu.wait_dma2 semaphore(%run_scoped3A : memref<!tpu.dma_semaphore, #tpu.memory_space<semaphore_mem>>) src(%dma_wait3A_53 : memref<80x128xf32, #tpu.memory_space<hbm>>) dst(%arg11 : memref<80x128xf32, #tpu.memory_space<vmem>>)
        tpu.yield
      }) : () -> ()
      %scan3A_41 = arith.constant 0 : i32
      %scan3A_42 = arith.constant 640 : i32
      %scan3A_43 = arith.addi %scan3A_41, %scan3A_42 : i32
      %scan3A_44 = arith.constant 1 : i32
      scf.for %scan3A_46 = %scan3A_41 to %scan3A_43 step %scan3A_44  : i32 {
        %jit3A_47 = arith.constant 8 : i32
        %div3A = arith.divsi %scan3A_46, %jit3A_47 : i32
        %sign3A = arith.constant 0 : i32
        %sign3A_48 = arith.cmpi sgt, %scan3A_46, %sign3A : i32
        %sign3A_49 = arith.extui %sign3A_48 : i1 to i32
        %sign3A_50 = arith.constant 0 : i32
        %sign3A_51 = arith.cmpi slt, %scan3A_46, %sign3A_50 : i32
        %sign3A_52 = arith.extui %sign3A_51 : i1 to i32
        %sign3A_53 = arith.subi %sign3A_49, %sign3A_52 : i32
        %sign3A_54 = arith.constant 0 : i32
        %sign3A_55 = arith.cmpi sgt, %jit3A_47, %sign3A_54 : i32
        %sign3A_56 = arith.extui %sign3A_55 : i1 to i32
        %sign3A_57 = arith.constant 0 : i32
        %sign3A_58 = arith.cmpi slt, %jit3A_47, %sign3A_57 : i32
        %sign3A_59 = arith.extui %sign3A_58 : i1 to i32
        %sign3A_60 = arith.subi %sign3A_56, %sign3A_59 : i32
        %ne3A = arith.cmpi ne, %sign3A_53, %sign3A_60 : i32
        %rem3A = arith.remsi %scan3A_46, %jit3A_47 : i32
        %ne3A_61 = arith.constant 0 : i32
        %ne3A_62 = arith.cmpi ne, %rem3A, %ne3A_61 : i32
        %and3A = arith.andi %ne3A, %ne3A_62 : i1
        %sub3A = arith.constant 1 : i32
        %sub3A_63 = arith.subi %div3A, %sub3A : i32
        %select_n3A_64 = arith.select %and3A, %sub3A_63, %div3A : i32
        %jit3A_65 = arith.constant 8 : i32
        %eq3A_66 = arith.constant 0 : i32
        %eq3A_67 = arith.cmpi eq, %jit3A_65, %eq3A_66 : i32
        %jit3A_68 = arith.constant 1 : i32
        %select_n3A_69 = arith.select %eq3A_67, %jit3A_68, %jit3A_65 : i32
        %rem3A_70 = arith.remsi %scan3A_46, %select_n3A_69 : i32
        %ne3A_71 = arith.constant 0 : i32
        %ne3A_72 = arith.cmpi ne, %rem3A_70, %ne3A_71 : i32
        %lt3A_73 = arith.constant 0 : i32
        %lt3A_74 = arith.cmpi slt, %rem3A_70, %lt3A_73 : i32
        %lt3A_75 = arith.constant 0 : i32
        %lt3A_76 = arith.cmpi slt, %select_n3A_69, %lt3A_75 : i32
        %ne3A_77 = arith.xori %lt3A_74, %lt3A_76 : i1
        %and3A_78 = arith.andi %ne3A_77, %ne3A_72 : i1
        %add3A_79 = arith.addi %rem3A_70, %select_n3A_69 : i32
        %select_n3A_80 = arith.select %and3A_78, %add3A_79, %rem3A_70 : i32
        %mul3A_81 = arith.constant 16 : i32
        %mul3A_82 = arith.muli %select_n3A_80, %mul3A_81 : i32
        %get3A = arith.index_cast %select_n3A_64 : i32 to index
        %get3A_83 = arith.index_cast %mul3A_82 : i32 to index
        %get3A_84 = tpu.vector_load %arg11[%get3A, %get3A_83] {strides = array<i32>} : memref<80x128xf32, #tpu.memory_space<vmem>>, vector<1x16xf32>,
        %get3A_85 = vector.shape_cast %get3A_84 : vector<1x16xf32> to vector<16xf32>
        %neg3A = arith.constant 0.000000e+00 : f32
        %neg3A_86 = vector.broadcast %neg3A : f32 to vector<16xf32>
        %neg3A_87 = arith.subf %neg3A_86, %get3A_85 : vector<16xf32>
        %exp3A = math.exp %neg3A_87 : vector<16xf32>
        %add3A_88 = arith.constant 1.000000e+00 : f32
        %add3A_89 = vector.broadcast %add3A_88 : f32 to vector<16xf32>
        %add3A_90 = arith.addf %add3A_89, %exp3A : vector<16xf32>
        %div3A_91 = arith.constant 1.000000e+00 : f32
        %div3A_92 = vector.broadcast %div3A_91 : f32 to vector<16xf32>
        %div3A_93 = arith.divf %div3A_92, %add3A_90 : vector<16xf32>
        %get3A_94 = arith.index_cast %select_n3A_64 : i32 to index
        %get3A_95 = arith.index_cast %mul3A_82 : i32 to index
        %get3A_96 = tpu.vector_load %arg10[%get3A_94, %get3A_95] {strides = array<i32>} : memref<80x128xf32, #tpu.memory_space<vmem>>, vector<1x16xf32>,
        %get3A_97 = vector.shape_cast %get3A_96 : vector<1x16xf32> to vector<16xf32>
        %mul3A_98 = arith.mulf %get3A_97, %div3A_93 : vector<16xf32>
        %swap3A = arith.index_cast %select_n3A_64 : i32 to index
        %swap3A_99 = arith.index_cast %mul3A_82 : i32 to index
        %swap3A_100 = tpu.vector_load %arg10[%swap3A, %swap3A_99] {strides = array<i32>} : memref<80x128xf32, #tpu.memory_space<vmem>>, vector<1x16xf32>,
        %swap3A_101 = vector.shape_cast %swap3A_100 : vector<1x16xf32> to vector<16xf32>
        %swap3A_102 = vector.shape_cast %mul3A_98 : vector<16xf32> to vector<1x16xf32>
        tpu.vector_store %arg10[%swap3A, %swap3A_99], %swap3A_102 {strides = array<i32>} : memref<80x128xf32, #tpu.memory_space<vmem>>, vector<1x16xf32>,
      }
      %scan3A_45 = arith.constant 640 : i32
      "tpu.region"() ({
        %run_scoped3A = tpu.sem_alloc : memref<!tpu.dma_semaphore, #tpu.memory_space<semaphore_mem>>
        %dma_start3A_46 = arith.constant 0 : i32
        %dma_start3A_47 = arith.constant 0 : i32
        %dma_start3A_48 = tpu.memref_slice %arg7[%dma_start3A_46, %dma_start3A_47] : memref<10000x128xf32, #tpu.memory_space<vmem_shared>> -> memref<10000x128xf32, #tpu.memory_space<vmem_shared>>
        tpu.enqueue_indirect_dma source(%arg10 : memref<80x128xf32, #tpu.memory_space<vmem>>) target(%dma_start3A_48 : memref<10000x128xf32, #tpu.memory_space<vmem_shared>>) offsets(%arg9 : memref<80xi32, #tpu.memory_space<vmem>>) semaphore(%run_scoped3A : memref<!tpu.dma_semaphore, #tpu.memory_space<semaphore_mem>>) {add = true}
        %dma_wait3A_49 = arith.constant 0 : i32
        %dma_wait3A_50 = arith.constant 0 : i32
        %dma_wait3A_51 = tpu.memref_slice %arg7[%dma_wait3A_49, %dma_wait3A_50] : memref<10000x128xf32, #tpu.memory_space<vmem_shared>> -> memref<10000x128xf32, #tpu.memory_space<vmem_shared>>
        tpu.wait_indirect_dma semaphore(%run_scoped3A : memref<!tpu.dma_semaphore, #tpu.memory_space<semaphore_mem>>) src(%arg10 : memref<80x128xf32, #tpu.memory_space<vmem>>) dst(%dma_wait3A_51 : memref<10000x128xf32, #tpu.memory_space<vmem_shared>>)
        tpu.yield
      }) : () -> ()
    }
    %scan3A_24 = arith.constant 125 : i32
    %barrier3A_25 = arith.constant 0 : index
    tpu.barrier barrier_id(%barrier3A_25)
    %lt3A = arith.constant 15 : i32
    %lt3A_26 = arith.cmpi slt, %arg1, %lt3A : i32
    %convert_element_type3A = arith.extui %lt3A_26 : i1 to i32
    %cond3A = arith.constant 0 : i32
    %cond3A_27 = arith.cmpi ne, %convert_element_type3A, %cond3A : i32
    scf.if %cond3A_27 {
      %multiple_of3A = tpu.assume_multiple %mul3A_7, 8 : i32
      "tpu.region"() ({
        %run_scoped3A = tpu.sem_alloc : memref<!tpu.dma_semaphore, #tpu.memory_space<semaphore_mem>>
        %dma_start3A = arith.constant 0 : i32
        %dma_start3A_33 = tpu.memref_slice %arg6[%arg0, %multiple_of3A, %dma_start3A] : memref<2x10000x128xf32, #tpu.memory_space<hbm>> -> memref<1x624x128xf32, #tpu.memory_space<hbm>>
        %dma_start3A_34 = tpu.memref_squeeze %dma_start3A_33 : memref<1x624x128xf32, #tpu.memory_space<hbm>> -> memref<624x128xf32, #tpu.memory_space<hbm>>
        %dma_start3A_35 = arith.constant 0 : i32
        %dma_start3A_36 = tpu.memref_slice %arg7[%multiple_of3A, %dma_start3A_35] : memref<10000x128xf32, #tpu.memory_space<vmem_shared>> -> memref<624x128xf32, #tpu.memory_space<vmem_shared>>
        tpu.enqueue_dma source(%dma_start3A_36 : memref<624x128xf32, #tpu.memory_space<vmem_shared>>) target(%dma_start3A_34 : memref<624x128xf32, #tpu.memory_space<hbm>>) target_semaphore(%run_scoped3A : memref<!tpu.dma_semaphore, #tpu.memory_space<semaphore_mem>>)
        %dma_wait3A = arith.constant 0 : i32
        %dma_wait3A_37 = tpu.memref_slice %arg6[%arg0, %multiple_of3A, %dma_wait3A] : memref<2x10000x128xf32, #tpu.memory_space<hbm>> -> memref<1x624x128xf32, #tpu.memory_space<hbm>>
        %dma_wait3A_38 = tpu.memref_squeeze %dma_wait3A_37 : memref<1x624x128xf32, #tpu.memory_space<hbm>> -> memref<624x128xf32, #tpu.memory_space<hbm>>
        %dma_wait3A_39 = arith.constant 0 : i32
        %dma_wait3A_40 = tpu.memref_slice %arg7[%multiple_of3A, %dma_wait3A_39] : memref<10000x128xf32, #tpu.memory_space<vmem_shared>> -> memref<624x128xf32, #tpu.memory_space<vmem_shared>>
        tpu.wait_dma2 semaphore(%run_scoped3A : memref<!tpu.dma_semaphore, #tpu.memory_space<semaphore_mem>>) src(%dma_wait3A_40 : memref<624x128xf32, #tpu.memory_space<vmem_shared>>) dst(%dma_wait3A_38 : memref<624x128xf32, #tpu.memory_space<hbm>>)
        tpu.yield
      }) : () -> ()
    } else {
    }
    %eq3A_28 = arith.constant 15 : i32
    %eq3A_29 = arith.cmpi eq, %arg1, %eq3A_28 : i32
    %convert_element_type3A_30 = arith.extui %eq3A_29 : i1 to i32
    %cond3A_31 = arith.constant 0 : i32
    %cond3A_32 = arith.cmpi ne, %convert_element_type3A_30, %cond3A_31 : i32
    scf.if %cond3A_32 {
      "tpu.region"() ({
        %run_scoped3A = tpu.sem_alloc : memref<!tpu.dma_semaphore, #tpu.memory_space<semaphore_mem>>
        %dma_start3A = arith.constant 9360 : i32
        %dma_start3A_33 = arith.constant 0 : i32
        %dma_start3A_34 = tpu.memref_slice %arg6[%arg0, %dma_start3A, %dma_start3A_33] : memref<2x10000x128xf32, #tpu.memory_space<hbm>> -> memref<1x640x128xf32, #tpu.memory_space<hbm>>
        %dma_start3A_35 = tpu.memref_squeeze %dma_start3A_34 : memref<1x640x128xf32, #tpu.memory_space<hbm>> -> memref<640x128xf32, #tpu.memory_space<hbm>>
        %dma_start3A_36 = arith.constant 9360 : i32
        %dma_start3A_37 = arith.constant 0 : i32
        %dma_start3A_38 = tpu.memref_slice %arg7[%dma_start3A_36, %dma_start3A_37] : memref<10000x128xf32, #tpu.memory_space<vmem_shared>> -> memref<640x128xf32, #tpu.memory_space<vmem_shared>>
        tpu.enqueue_dma source(%dma_start3A_38 : memref<640x128xf32, #tpu.memory_space<vmem_shared>>) target(%dma_start3A_35 : memref<640x128xf32, #tpu.memory_space<hbm>>) target_semaphore(%run_scoped3A : memref<!tpu.dma_semaphore, #tpu.memory_space<semaphore_mem>>)
        %dma_wait3A = arith.constant 9360 : i32
        %dma_wait3A_39 = arith.constant 0 : i32
        %dma_wait3A_40 = tpu.memref_slice %arg6[%arg0, %dma_wait3A, %dma_wait3A_39] : memref<2x10000x128xf32, #tpu.memory_space<hbm>> -> memref<1x640x128xf32, #tpu.memory_space<hbm>>
        %dma_wait3A_41 = tpu.memref_squeeze %dma_wait3A_40 : memref<1x640x128xf32, #tpu.memory_space<hbm>> -> memref<640x128xf32, #tpu.memory_space<hbm>>
        %dma_wait3A_42 = arith.constant 9360 : i32
        %dma_wait3A_43 = arith.constant 0 : i32
        %dma_wait3A_44 = tpu.memref_slice %arg7[%dma_wait3A_42, %dma_wait3A_43] : memref<10000x128xf32, #tpu.memory_space<vmem_shared>> -> memref<640x128xf32, #tpu.memory_space<vmem_shared>>
        tpu.wait_dma2 semaphore(%run_scoped3A : memref<!tpu.dma_semaphore, #tpu.memory_space<semaphore_mem>>) src(%dma_wait3A_44 : memref<640x128xf32, #tpu.memory_space<vmem_shared>>) dst(%dma_wait3A_41 : memref<640x128xf32, #tpu.memory_space<hbm>>)
        tpu.yield
      }) : () -> ()
    } else {
    }
    return
  }
}

module attributes {stable_mosaic.version = 14 : i64} {
  func.func @_dense_body(%arg0: i32, %arg1: memref<1000x128xf32, #tpu.memory_space<vmem>>, %arg2: memref<1000x128xf32, #tpu.memory_space<vmem>>, %arg3: memref<1000x128xf32, #tpu.memory_space<vmem>>, %arg4: memref<128x128xf32, #tpu.memory_space<vmem>>, %arg5: memref<128x128xf32, #tpu.memory_space<vmem>>, %arg6: memref<1x128xf32, #tpu.memory_space<vmem>>, %arg7: memref<1000x128xf32, #tpu.memory_space<vmem>>) attributes {dimension_semantics = [#tpu.dimension_semantics<arbitrary>], iteration_bounds = array<i64: 10>, scalar_prefetch = 0 : i64, scratch_operands = 0 : i64, tpu.core_type = #tpu.core_type<tc>, window_params = [{transform_indices = @transform_0, window_bounds = array<i64: 1000, 128>}, {transform_indices = @transform_1, window_bounds = array<i64: 1000, 128>}, {transform_indices = @transform_2, window_bounds = array<i64: 1000, 128>}, {pipeline_mode = #tpu.pipeline_mode<synchronous>, transform_indices = @transform_3, window_bounds = array<i64: 128, 128>}, {pipeline_mode = #tpu.pipeline_mode<synchronous>, transform_indices = @transform_4, window_bounds = array<i64: 128, 128>}, {pipeline_mode = #tpu.pipeline_mode<synchronous>, transform_indices = @transform_5, window_bounds = array<i64: 1, 128>}, {transform_indices = @transform_6, window_bounds = array<i64: 1000, 128>}]} {
    %get3A = arith.constant 0 : index
    %get3A_0 = arith.constant 0 : index
    %get3A_1 = vector.load %arg2[%get3A, %get3A_0] : memref<1000x128xf32, #tpu.memory_space<vmem>>, vector<1000x128xf32>
    %get3A_2 = arith.constant 0 : index
    %get3A_3 = arith.constant 0 : index
    %get3A_4 = vector.load %arg3[%get3A_2, %get3A_3] : memref<1000x128xf32, #tpu.memory_space<vmem>>, vector<1000x128xf32>
    %add3A = arith.addf %get3A_1, %get3A_4 : vector<1000x128xf32>
    %get3A_5 = arith.constant 0 : index
    %get3A_6 = arith.constant 0 : index
    %get3A_7 = vector.load %arg1[%get3A_5, %get3A_6] : memref<1000x128xf32, #tpu.memory_space<vmem>>, vector<1000x128xf32>
    %get3A_8 = arith.constant 0 : index
    %get3A_9 = arith.constant 0 : index
    %get3A_10 = vector.load %arg4[%get3A_8, %get3A_9] : memref<128x128xf32, #tpu.memory_space<vmem>>, vector<128x128xf32>
    %dot_general3A = arith.constant dense<0.000000e+00> : vector<1000x128xf32>
    %dot_general3A_11 = tpu.matmul %get3A_7, %get3A_10, %dot_general3A {dimension_numbers = #tpu.dot_dimension_numbers<[1], [0], [0], [1], [0, 0, 1, 1], [], []>, transpose_lhs_hint = false} : vector<1000x128xf32>, vector<128x128xf32>, vector<1000x128xf32> -> vector<1000x128xf32>
    %get3A_12 = arith.constant 0 : index
    %get3A_13 = arith.constant 0 : index
    %get3A_14 = vector.load %arg5[%get3A_12, %get3A_13] : memref<128x128xf32, #tpu.memory_space<vmem>>, vector<128x128xf32>
    %dot_general3A_15 = arith.constant dense<0.000000e+00> : vector<1000x128xf32>
    %dot_general3A_16 = tpu.matmul %add3A, %get3A_14, %dot_general3A_15 {dimension_numbers = #tpu.dot_dimension_numbers<[1], [0], [0], [1], [0, 0, 1, 1], [], []>, transpose_lhs_hint = false} : vector<1000x128xf32>, vector<128x128xf32>, vector<1000x128xf32> -> vector<1000x128xf32>
    %add3A_17 = arith.addf %dot_general3A_11, %dot_general3A_16 : vector<1000x128xf32>
    %get3A_18 = arith.constant 0 : index
    %get3A_19 = arith.constant 0 : index
    %get3A_20 = vector.load %arg6[%get3A_18, %get3A_19] : memref<1x128xf32, #tpu.memory_space<vmem>>, vector<1x128xf32>
    %add3A_21 = vector.broadcast %get3A_20 : vector<1x128xf32> to vector<1000x128xf32>
    %add3A_22 = arith.addf %add3A_17, %add3A_21 : vector<1000x128xf32>
    %max3A = arith.constant 0.000000e+00 : f32
    %max3A_23 = vector.broadcast %max3A : f32 to vector<1000x128xf32>
    %max3A_24 = arith.maximumf %add3A_22, %max3A_23 : vector<1000x128xf32>
    %get3A_25 = arith.constant 0 : index
    %get3A_26 = arith.constant 0 : index
    %get3A_27 = vector.load %arg1[%get3A_25, %get3A_26] : memref<1000x128xf32, #tpu.memory_space<vmem>>, vector<1000x128xf32>
    %add3A_28 = arith.addf %max3A_24, %get3A_27 : vector<1000x128xf32>
    %swap3A = arith.constant 0 : index
    %swap3A_29 = arith.constant 0 : index
    %swap3A_30 = vector.load %arg7[%swap3A, %swap3A_29] : memref<1000x128xf32, #tpu.memory_space<vmem>>, vector<1000x128xf32>
    tpu.vector_store %arg7[%swap3A, %swap3A_29], %add3A_28 {strides = array<i32>} : memref<1000x128xf32, #tpu.memory_space<vmem>>, vector<1000x128xf32>,
    return
  }
  func.func @transform_0(%arg0: i32) -> (i32, i32) {
    %c0_i32 = arith.constant 0 : i32
    %c0_i32_0 = arith.constant 0 : i32
    return %arg0, %c0_i32 : i32, i32
  }
  func.func @transform_1(%arg0: i32) -> (i32, i32) {
    %c0_i32 = arith.constant 0 : i32
    %c0_i32_0 = arith.constant 0 : i32
    return %arg0, %c0_i32 : i32, i32
  }
  func.func @transform_2(%arg0: i32) -> (i32, i32) {
    %c0_i32 = arith.constant 0 : i32
    %c0_i32_0 = arith.constant 0 : i32
    return %arg0, %c0_i32 : i32, i32
  }
  func.func @transform_3(%arg0: i32) -> (i32, i32) {
    %c0_i32 = arith.constant 0 : i32
    %c0_i32_0 = arith.constant 0 : i32
    %c0_i32_1 = arith.constant 0 : i32
    return %c0_i32, %c0_i32_0 : i32, i32
  }
  func.func @transform_4(%arg0: i32) -> (i32, i32) {
    %c0_i32 = arith.constant 0 : i32
    %c0_i32_0 = arith.constant 0 : i32
    %c0_i32_1 = arith.constant 0 : i32
    return %c0_i32, %c0_i32_0 : i32, i32
  }
  func.func @transform_5(%arg0: i32) -> (i32, i32) {
    %c0_i32 = arith.constant 0 : i32
    %c0_i32_0 = arith.constant 0 : i32
    %c0_i32_1 = arith.constant 0 : i32
    return %c0_i32, %c0_i32_0 : i32, i32
  }
  func.func @transform_6(%arg0: i32) -> (i32, i32) {
    %c0_i32 = arith.constant 0 : i32
    %c0_i32_0 = arith.constant 0 : i32
    return %arg0, %c0_i32 : i32, i32
  }
}

module attributes {stable_mosaic.version = 14 : i64} {
  func.func @_dense_body(%arg0: i32, %arg1: memref<1000x128xf32, #tpu.memory_space<vmem>>, %arg2: memref<1000x128xf32, #tpu.memory_space<vmem>>, %arg3: memref<1000x128xf32, #tpu.memory_space<vmem>>, %arg4: memref<128x128xf32, #tpu.memory_space<vmem>>, %arg5: memref<128x128xf32, #tpu.memory_space<vmem>>, %arg6: memref<1x128xf32, #tpu.memory_space<vmem>>, %arg7: memref<1000x128xf32, #tpu.memory_space<vmem>>) attributes {dimension_semantics = [#tpu.dimension_semantics<arbitrary>], iteration_bounds = array<i64: 10>, scalar_prefetch = 0 : i64, scratch_operands = 0 : i64, tpu.core_type = #tpu.core_type<tc>, window_params = [{transform_indices = @transform_0, window_bounds = array<i64: 1000, 128>}, {transform_indices = @transform_1, window_bounds = array<i64: 1000, 128>}, {transform_indices = @transform_2, window_bounds = array<i64: 1000, 128>}, {pipeline_mode = #tpu.pipeline_mode<synchronous>, transform_indices = @transform_3, window_bounds = array<i64: 128, 128>}, {pipeline_mode = #tpu.pipeline_mode<synchronous>, transform_indices = @transform_4, window_bounds = array<i64: 128, 128>}, {pipeline_mode = #tpu.pipeline_mode<synchronous>, transform_indices = @transform_5, window_bounds = array<i64: 1, 128>}, {transform_indices = @transform_6, window_bounds = array<i64: 1000, 128>}]} {
    %get3A = arith.constant 0 : index
    %get3A_0 = arith.constant 0 : index
    %get3A_1 = vector.load %arg2[%get3A, %get3A_0] : memref<1000x128xf32, #tpu.memory_space<vmem>>, vector<1000x128xf32>
    %get3A_2 = arith.constant 0 : index
    %get3A_3 = arith.constant 0 : index
    %get3A_4 = vector.load %arg3[%get3A_2, %get3A_3] : memref<1000x128xf32, #tpu.memory_space<vmem>>, vector<1000x128xf32>
    %add3A = arith.addf %get3A_1, %get3A_4 : vector<1000x128xf32>
    %get3A_5 = arith.constant 0 : index
    %get3A_6 = arith.constant 0 : index
    %get3A_7 = vector.load %arg1[%get3A_5, %get3A_6] : memref<1000x128xf32, #tpu.memory_space<vmem>>, vector<1000x128xf32>
    %get3A_8 = arith.constant 0 : index
    %get3A_9 = arith.constant 0 : index
    %get3A_10 = vector.load %arg4[%get3A_8, %get3A_9] : memref<128x128xf32, #tpu.memory_space<vmem>>, vector<128x128xf32>
    %dot_general3A = arith.constant dense<0.000000e+00> : vector<1000x128xf32>
    %dot_general3A_11 = tpu.matmul %get3A_7, %get3A_10, %dot_general3A {dimension_numbers = #tpu.dot_dimension_numbers<[1], [0], [0], [1], [0, 0, 1, 1], [], []>, transpose_lhs_hint = false} : vector<1000x128xf32>, vector<128x128xf32>, vector<1000x128xf32> -> vector<1000x128xf32>
    %get3A_12 = arith.constant 0 : index
    %get3A_13 = arith.constant 0 : index
    %get3A_14 = vector.load %arg5[%get3A_12, %get3A_13] : memref<128x128xf32, #tpu.memory_space<vmem>>, vector<128x128xf32>
    %dot_general3A_15 = arith.constant dense<0.000000e+00> : vector<1000x128xf32>
    %dot_general3A_16 = tpu.matmul %add3A, %get3A_14, %dot_general3A_15 {dimension_numbers = #tpu.dot_dimension_numbers<[1], [0], [0], [1], [0, 0, 1, 1], [], []>, transpose_lhs_hint = false} : vector<1000x128xf32>, vector<128x128xf32>, vector<1000x128xf32> -> vector<1000x128xf32>
    %add3A_17 = arith.addf %dot_general3A_11, %dot_general3A_16 : vector<1000x128xf32>
    %get3A_18 = arith.constant 0 : index
    %get3A_19 = arith.constant 0 : index
    %get3A_20 = vector.load %arg6[%get3A_18, %get3A_19] : memref<1x128xf32, #tpu.memory_space<vmem>>, vector<1x128xf32>
    %add3A_21 = vector.broadcast %get3A_20 : vector<1x128xf32> to vector<1000x128xf32>
    %add3A_22 = arith.addf %add3A_17, %add3A_21 : vector<1000x128xf32>
    %max3A = arith.constant 0.000000e+00 : f32
    %max3A_23 = vector.broadcast %max3A : f32 to vector<1000x128xf32>
    %max3A_24 = arith.maximumf %add3A_22, %max3A_23 : vector<1000x128xf32>
    %get3A_25 = arith.constant 0 : index
    %get3A_26 = arith.constant 0 : index
    %get3A_27 = vector.load %arg1[%get3A_25, %get3A_26] : memref<1000x128xf32, #tpu.memory_space<vmem>>, vector<1000x128xf32>
    %add3A_28 = arith.addf %max3A_24, %get3A_27 : vector<1000x128xf32>
    %swap3A = arith.constant 0 : index
    %swap3A_29 = arith.constant 0 : index
    %swap3A_30 = vector.load %arg7[%swap3A, %swap3A_29] : memref<1000x128xf32, #tpu.memory_space<vmem>>, vector<1000x128xf32>
    tpu.vector_store %arg7[%swap3A, %swap3A_29], %add3A_28 {strides = array<i32>} : memref<1000x128xf32, #tpu.memory_space<vmem>>, vector<1000x128xf32>,
    return
  }
  func.func @transform_0(%arg0: i32) -> (i32, i32) {
    %c0_i32 = arith.constant 0 : i32
    %c0_i32_0 = arith.constant 0 : i32
    return %arg0, %c0_i32 : i32, i32
  }
  func.func @transform_1(%arg0: i32) -> (i32, i32) {
    %c0_i32 = arith.constant 0 : i32
    %c0_i32_0 = arith.constant 0 : i32
    return %arg0, %c0_i32 : i32, i32
  }
  func.func @transform_2(%arg0: i32) -> (i32, i32) {
    %c0_i32 = arith.constant 0 : i32
    %c0_i32_0 = arith.constant 0 : i32
    return %arg0, %c0_i32 : i32, i32
  }
  func.func @transform_3(%arg0: i32) -> (i32, i32) {
    %c0_i32 = arith.constant 0 : i32
    %c0_i32_0 = arith.constant 0 : i32
    %c0_i32_1 = arith.constant 0 : i32
    return %c0_i32, %c0_i32_0 : i32, i32
  }
  func.func @transform_4(%arg0: i32) -> (i32, i32) {
    %c0_i32 = arith.constant 0 : i32
    %c0_i32_0 = arith.constant 0 : i32
    %c0_i32_1 = arith.constant 0 : i32
    return %c0_i32, %c0_i32_0 : i32, i32
  }
  func.func @transform_5(%arg0: i32) -> (i32, i32) {
    %c0_i32 = arith.constant 0 : i32
    %c0_i32_0 = arith.constant 0 : i32
    %c0_i32_1 = arith.constant 0 : i32
    return %c0_i32, %c0_i32_0 : i32, i32
  }
  func.func @transform_6(%arg0: i32) -> (i32, i32) {
    %c0_i32 = arith.constant 0 : i32
    %c0_i32_0 = arith.constant 0 : i32
    return %arg0, %c0_i32 : i32, i32
  }
}

</mosaic_0001>

<sc_bundles>
// kernel: kernel.6.cloned.1.call-start
scs
__scs_entry_jumppad:
0x0: {  	(pc) =	sbr.rel $0x88, $3  }
0x1: {  	(tag) =	ssettag $0x0;
	lr =	simm.s32 $0x1  }
0x2: {  	[smem:$0x3F98] =	sst lr;
	_ =	strace $0xD0000000  }
0x3: {  	_ = 	snop  }
0x4: {  	_ = 	snop  }
0x5: {  	_ = 	snop  }
0x6: {  	_ = 	snop  }
0x7: {  	_ = 	snop  }
__scs_overlays_trampoline_lowered:
0x8: {  	[smem:$0x3FA7] =	sst s0  }
0x9: {  	[smem:$0x3FA8] =	sst s1  }
0xa: {  	[smem:$0x3FA9] =	sst s2  }
0xb: {  	[smem:$0x3FAA] =	sst s3  }
0xc: {  	[smem:$0x3FAB] =	sst s4  }
0xd: {  	[smem:$0x3FAC] =	sst s5  }
0xe: {  	[smem:$0x3FAD] =	sst s6  }
0xf: {  	[smem:$0x3FAE] =	sst s7  }
0x10: {  	[smem:$0x3FAF] =	sst s8  }
0x11: {  	[smem:$0x3FB0] =	sst s9;
	s0 =	simm.s32 @!p0 $0x0  }
0x12: {  	s1 =	sld [smem:$0x3F96];
	s0 =	simm.s32 @p0 $0x1  }
0x13: {  	[smem:$0x3FB1] =	sst s0;
	s0 =	simm.s32 @!p1 $0x0  }
0x14: {  	s2 =	sld [smem:$0x3F95];
	s0 =	simm.s32 @p1 $0x1  }
0x15: {  	[smem:$0x3FB2] =	sst s0;
	s0 =	simm.s32 @!p2 $0x0  }
0x16: {  	s3 =	sld [smem:$0x3FDB];
	s0 =	simm.s32 @p2 $0x1  }
0x17: {  	s4 =	simm.s32 $0x1BF5;
	[smem:$0x3FB4] =	sst s0  }
0x18: {  	s0 =	sld [smem:$0x3F97];
	_ =	swait.ge [sflag:s4], $0x0  }
0x19: {  	s7 =	sld [smem:$0x3F98]  }
0x1a: {  	s8 =	sadd.s32 $0xFFFFE003, lr  }
0x1b: {  	s9 =	sadd.s32 $0xFFFFFEF7, lr;
	s5 =	simm.s32 $0xFFFFFFFF;
	p2 =	slt.u32 s8, $0xFFFFF086  }
0x1c: {  	p1 =	slt.u32 s9, $0xF7A;
	s5 =	simm.s32 @!p2 $0x0  }
0x1d: {  	s5 =	simm.s32 @p1 $0x1;
	p0 =	seq.s32 s7, s2  }
0x1e: {  	s7 =	smul.u32 @!p0 $0xF7A, s2;
	p2 =	seq.s32 @!p0 s5, $0x0  }
0x1f: {  	s9 =	smul.u32 $0xF7A, s1;
	s8 =	simm.s32 @!p0 $0x1BF5;
	p2 =	por !p2, p0  }
0x20: {  	[sflag:s8] =	ssyncset.s32 @!p0 $0xFFFFF086;
	s6 =	sadd.s32 @!p0 s3, s7;
	s7 =	simm.s32 @!p0 $0x108  }
0x21: {  	s3 =	sadd.s32 s3, s9;
	s6 =	sadd.s32 @!p0 $0x88, s6;
	s7 =	simm.s32 @p2 $0x1082  }
0x22: {  	[simem:s7], [sflag:s8] =	dma.local @!p0 [hbm:s6], $0xF7A  }
0x23: {  	s9 =	sor.u32 $0xD0000000, s2;
	s6 =	simm.s32 $0x108;
	_ =	swait.ge @!p0 [sflag:s8], $0x0  }
0x24: {  	s3 =	sadd.s32 $0x88, s3;
	s6 =	simm.s32 @!p1 $0x1082;
	[sflag:s4] =	ssyncset.s32 $0xFFFFF086  }
0x25: {  	[simem:s6], [sflag:s4] =	dma.local [hbm:s3], $0xF7A  }
0x26: {  	[smem:$0x3F98] =	sst s1;
	(tag) =	ssettag s2;
	_ =	strace s9  }
0x27: {  	s1 =	sld [smem:$0x3FA8]  }
0x28: {  	s2 =	sld [smem:$0x3FA9]  }
0x29: {  	s4 =	sld [smem:$0x3FAB]  }
0x2a: {  	p0 =	seq.s32 s5, $0x0;
	s5 =	sld [smem:$0x3FAC]  }
0x2b: {  	s6 =	sld [smem:$0x3FAD]  }
0x2c: {  	s7 =	sld [smem:$0x3FAE]  }
0x2d: {  	s3 =	simm.s32 $0x108;
	s8 =	sld [smem:$0x3FAF]  }
0x2e: {  	s3 =	simm.s32 @!p0 $0x1082;
	s9 =	sld [smem:$0x3FB0]  }
0x2f: {  	lr =	sadd.s32 s0, s3;
	s0 =	sld [smem:$0x3FA7]  }
0x30: {  	s3 =	sld [smem:$0x3FAA]  }
0x31: {  	[smem:$0x3FB3] =	sst s10  }
0x32: {  	s10 =	sld [smem:$0x3FB1];
	_ =	sdelay $0x3  }
0x33: {  	p0 =	seq.s32 s10, $0x1;
	s10 =	sld [smem:$0x3FB3];
	_ =	sdelay $0x3  }
0x34: {  	[smem:$0x3FB3] =	sst s10  }
0x35: {  	s10 =	sld [smem:$0x3FB2];
	_ =	sdelay $0x3  }
0x36: {  	p1 =	seq.s32 s10, $0x1;
	s10 =	sld [smem:$0x3FB3];
	_ =	sdelay $0x3  }
0x37: {  	[smem:$0x3FB3] =	sst s10  }
0x38: {  	s10 =	sld [smem:$0x3FB4]  }
0x39: {  	_ = 	snop;
	(pc) =	sbr.ind lr, $3  }
0x3a: {  	_ = 	snop  }
0x3b: {  	_ = 	snop  }
0x3c: {  	p2 =	seq.s32 s10, $0x1;
	s10 =	sld [smem:$0x3FB3]  }
0x3d: {  	_ =	shalt  }
0x3e: {  	_ =	shalt  }
0x3f: {  	_ =	shalt  }
0x40: {  	_ =	shalt  }
0x41: {  	_ =	shalt  }
0x42: {  	_ =	shalt  }
0x43: {  	_ =	shalt  }
0x44: {  	_ =	shalt  }
0x45: {  	_ =	shalt  }
0x46: {  	_ =	shalt  }
0x47: {  	_ =	shalt  }
0x48: {  	_ =	shalt  }
0x49: {  	_ =	shalt  }
0x4a: {  	_ =	shalt  }
0x4b: {  	_ =	shalt  }
0x4c: {  	_ =	shalt  }
0x4d: {  	_ =	shalt  }
0x4e: {  	_ =	shalt  }
0x4f: {  	_ =	shalt  }
0x50: {  	_ =	shalt  }
0x51: {  	_ =	shalt  }
0x52: {  	_ =	shalt  }
0x53: {  	_ =	shalt  }
0x54: {  	_ =	shalt  }
0x55: {  	_ =	shalt  }
0x56: {  	_ =	shalt  }
0x57: {  	_ =	shalt  }
0x58: {  	_ =	shalt  }
0x59: {  	_ =	shalt  }
0x5a: {  	_ =	shalt  }
0x5b: {  	_ =	shalt  }
0x5c: {  	_ =	shalt  }
0x5d: {  	_ =	shalt  }
0x5e: {  	_ =	shalt  }
0x5f: {  	_ =	shalt  }
0x60: {  	_ =	shalt  }
0x61: {  	_ =	shalt  }
0x62: {  	_ =	shalt  }
0x63: {  	_ =	shalt  }
0x64: {  	_ =	shalt  }
0x65: {  	_ =	shalt  }
0x66: {  	_ =	shalt  }
0x67: {  	_ =	shalt  }
0x68: {  	_ =	shalt  }
0x69: {  	_ =	shalt  }
0x6a: {  	_ =	shalt  }
0x6b: {  	_ =	shalt  }
0x6c: {  	_ =	shalt  }
0x6d: {  	_ =	shalt  }
0x6e: {  	_ =	shalt  }
0x6f: {  	_ =	shalt  }
0x70: {  	_ =	shalt  }
0x71: {  	_ =	shalt  }
0x72: {  	_ =	shalt  }
0x73: {  	_ =	shalt  }
0x74: {  	_ =	shalt  }
0x75: {  	_ =	shalt  }
0x76: {  	_ =	shalt  }
0x77: {  	_ =	shalt  }
0x78: {  	_ =	shalt  }
0x79: {  	_ =	shalt  }
0x7a: {  	_ =	shalt  }
0x7b: {  	_ =	shalt  }
0x7c: {  	_ =	shalt  }
0x7d: {  	_ =	shalt  }
0x7e: {  	_ =	shalt  }
0x7f: {  	_ =	shalt  }
0x80: {  	_ =	shalt  }
0x81: {  	_ =	shalt  }
0x82: {  	_ =	shalt  }
0x83: {  	_ =	shalt  }
0x84: {  	_ =	shalt  }
0x85: {  	_ =	shalt  }
0x86: {  	_ =	shalt  }
0x87: {  	_ =	shalt  }
.Lfunc_end0:
.L_simem_size_0:
called_computation_lowered:
.L_overlay_start_0:
0x88: {  	s2 =	sld [smem:$0x3FD9]  }
0x89: {  	s3 =	sld [smem:$0x3FFE];
	_ =	sdelay $0x1  }
0x8a: {  	s1 =	srdreg.scid  }
0x8b: {  	s0 =	sand.u32 $0x1, s1  }
0x8c: {  	s17 =	sshll.u32 s0, $0xA;
	s2 =	sadd.s32 s3, s2  }
0x8d: {  	s2 =	sadd.s32 s2, s17  }
0x8e: {  	[smem:$0x3FBF] =	sst s2  }
0x8f: {  	_ = 	snop  }
0x90: {  	s2 =	sld [smem:$0x3FC8]  }
0x91: {  	s18 =	sld [smem:$0x3FC7];
	(tm) =	ssettm $0x1  }
0x92: {  	s4 =	sld [smem:$0x3FFB];
	_ =	sdelay $0x3  }
0x93: {  	_ =	strace s4  }
0x94: {  	s4 =	sld [smem:$0x3FFC];
	_ =	sdelay $0x3  }
0x95: {  	_ =	strace s4  }
0x96: {  	s4 =	sld [smem:$0x3FFD];
	_ =	sdelay $0x3  }
0x97: {  	_ =	strace s4  }
0x98: {  	_ =	strace $0x8FFFFFFF  }
0x99: {  	s19 =	sld [smem:$0x3FDB];
	_ =	sdelay $0x1  }
0x9a: {  	s5 =	simm.s32 $_scs_section_size  }
0x9b: {  	s6 =	simm.s32 $_size__tile_overlayer_lowered;
	s7 =	simm.s32 $_tile_overlayer_lowered  }
0x9c: {  	s22 =	simm.s32 $0x1BFF;
	s21 =	sshll.u32 s7, $0x1;
	s4 =	sadd.s32 s5, s19  }
0x9d: {  	s8 =	simm.s32 $0x0;
	s20 =	sshll.u32 s6, $0x1;
	s6 =	sadd.s32 s21, s4  }
0x9e: {  	[timem:s8], [sflag:s22] =	dma.local [hbm:s6], s20  }
0x9f: {  	_ =	swait.ge [sflag:s22], s20  }
0xa0: {  	s5 =	ssub.s32 $0x0, s20;
	[sflag:s22] =	ssyncset.done $0x0  }
0xa1: {  	[sflag:s22] =	ssyncadd.s32 s5;
	_ =	sdelay $0x1  }
0xa2: {  	s23 =	simm.s32 $0x1B8B  }
0xa3: {  	_ =	swait.ge [sflag:s23], $0x1  }
0xa4: {  	[sflag:s23] =	ssyncset.done $0x0  }
0xa5: {  	s25 =	simm.s32 $0x1B8E;
	s24 =	sld [smem:$0x3FFE];
	[sflag:s23] =	ssyncadd.s32 $0xFFFFFFFF  }
0xa6: {  	s26 =	simm.s32 $execute0_lowered;
	[smem:$0x3FD2] =	sst s25  }
0xa7: {  	s6 =	sshll.u32 s26, $0x1;
	_ =	strace $0x80000046;
	[dreg:$0x1] =	wrdreg $0xFFFFFFFF  }
0xa8: {  	s28 =	simm.s32 $_size_execute0_lowered;
	s4 =	sadd.s32 s4, s6;
	[dreg:$0x0] =	wrdreg $0x0  }
0xa9: {  	s6 =	sshll.u32 s28, $0x1;
	[dreg:$0x2] =	wrdreg s4  }
0xaa: {  	[dreg:$0x3] =	wrdreg s6  }
0xab: {  	[dreg:$0x4] =	wrdreg $0xC0  }
0xac: {  	_ =	task [dreg:s8], $0x5FFFF  }
0xad: {  	[dreg:$0x1] =	wrdreg $0xFFFFFFFF  }
0xae: {  	[dreg:$0x0] =	wrdreg $0x60  }
0xaf: {  	[dreg:$0x2] =	wrdreg s2  }
0xb0: {  	[dreg:$0x3] =	wrdreg s24  }
0xb1: {  	[dreg:$0x4] =	wrdreg s18  }
0xb2: {  	[dreg:$0x5] =	wrdreg $0x0  }
0xb3: {  	[dreg:$0x6] =	wrdreg $0x9  }
0xb4: {  	_ =	task.clear_ibuf [dreg:s8], $0x7FFFF;
	_ =	strace $0x90000046  }
0xb5: {  	s29 =	simm.s32 $0x9;
	_ =	strace $0x80000048  }
0xb6: {  	_ =	swait.ge [sflag:s29], $0x1  }
0xb7: {  	[sflag:s29] =	ssyncadd.s32 $0xFFFFFFFF  }
0xb8: {  	_ =	strace $0x90000048  }
0xb9: {  	_ =	sfence  }
0xba: {  	s30 =	sld [smem:$0x0];
	_ =	sdelay $0x2  }
0xbb: {  	s31 =	sshll.u32 s1, $0xD;
	s1 =	sshrl.u32 s1, $0x2  }
0xbc: {  	s3 =	sand.u32 $0x4000, s31;
	s1 =	sadd.s32 s1, s30  }
0xbd: {  	s0 =	sor.u32 s3, s0;
	s1 =	sshll.u32 s1, $0x11  }
0xbe: {  	s0 =	sor.u32 s1, s0  }
0xbf: {  	s0 =	sadd.s32 $0x8F2B, s0  }
0xc0: {  	[sflag:s0] =	ssyncadd.remote.s32 $0x1  }
0xc1: {  	_ =	sfence.sel $0xFFFF  }
0xc2: {  	[dreg:$0x0] =	wrdreg $0xFFFFFFFF;
	(pc) =	sbr.abs _section_cstart, $3  }
0xc3: {  	[dreg:$0x1] =	wrdreg $0xFFFFFFFF  }
0xc4: {  	_ =	task.clear_ibuf [dreg:s8], $0x2FFFF;
	_ =	strace $0x9FFFFFFF  }
0xc5: {  	(tm) =	ssettm $0x7FFFFFFF  }
tec
execute0_lowered:
.L_overlay_start_1:
0x0: {  	(tag) =	ssettag $0x1  }
0x1: {  	s1 =	rddreg [dreg:$0x0]  }
0x2: {  	s0 =	rddreg [dreg:$0x1]  }
0x3: {  	s2 =	rddreg [dreg:$0x2]  }
0x4: {  	s3 =	rddreg [dreg:$0x3];
	s4 =	simm.s32 $0x0;
	s8 =	srdreg.scid  }
0x5: {  	s5 =	stileid.u32;
	s17 =	simm.s32 $0x13900;
	s18 =	simm.s32 $0x50  }
0x6: {  	s19 =	simm.s32 $0x13980;
	s20 =	simm.s32 $0x1;
	s21 =	simm.s32 $0x16180  }
0x7: {  	s23 =	simm.s32 $0x0;
	[smem:$0x7FF] =	sst s4;
	s6 =	sadd.s32 $0xBA00, s0  }
0x8: {  	s7 =	sadd.s32 $0x1C00, s0;
	s9 =	sand.u32 $0x1, s8;
	s0 =	sadd.s32 $0x15800, s0  }
0x9: {  	s11 =	smul.u32 $0x4E000, s5;
	s13 =	sshll.u32 s5, $0x1;
	p0 =	seq.s32 s5, $0xF  }
0xa: {  	s8 =	simm.s32 $0x28;
	s15 =	smul.u32 $0x13800, s5;
	_ =	strace $0x80000047  }
0xb: {  	s10 =	ssub.s32 $0x2, s9;
	s14 =	smul.u32 $0x138800, s9;
	s28 =	sor.u32 s9, s13  }
0xc: {  	s8 =	simm.s32 @!p0 $0x27;
	s12 =	sshrl.u32 s10, $0x1;
	s29 =	sshrl.u32 s11, $0x2  }
0xd: {  	s16 =	ssub.s32 s10, s12;
	s30 =	sadd.s32 s15, s14;
	s31 =	sshrl.u32 s14, $0x3  }
0xe: {  	s9 =	sadd.s32 s29, s3;
	s10 =	smul.u32 $0x2710, s28;
	s14 =	simm.s32 $0x18980  }
0xf: {  	s15 =	simm.s32 $0x2;
	s11 =	sshrl.u32 s30, $0x3;
	s12 =	sadd.s32 s0, s31  }
0x10: {  	s13 =	smax.u32 s16, $0x1;
	s11 =	sadd.s32 s0, s11;
	s0 =	sadd.s32 $0x124800, s3  }
0x11: {  	v0 =	vimm.f32 $0.0e+00;
	s16 =	simm.s32 $0x13880;
	s12 =	sadd.s32 $0x24900, s12;
	s22 =	sshrl.u32 @p0 s0, $0x3  }
.LBB2_1:
0x12: {  	s0 =	sand.u32 $0x1E00, s4  }
0x13: {  	s24 =	sand.u32 $0x70, s4;
	s25 =	sshrl.u32 s0, $0x2  }
0x14: {  	s0 =	simm.s32 $0x40;
	s25 =	sor.u32 s24, s25;
	s24 =	simm.s32 $0x0  }
.LBB2_2:
0x15: {  	p1 =	sne.s32 s0, $0x1FC0  }
0x16: {  	[tilespmem:s25+$0x18980] =	vst v0;
	s24 =	sadd.s32 $0x10, s24;
	s25 =	smov.u32 s0;
	s0 =	sadd.s32 $0x40, s0  }
.Ltmp0:
0x17: {  	(pc) =	sbr.rel @p1 .LBB2_2-.Ltmp0, $4  }
0x18: {  	_ = 	snop  }
0x19: {  	s25 =	sand.u32 $0x1E00, s25  }
0x1a: {  	s26 =	sand.u32 $0x70, s24;
	s25 =	sshrl.u32 s25, $0x2  }
0x1b: {  	s25 =	sor.u32 s26, s25  }
0x1c: {  	p1 =	sne.s32 s8, $0x1  }
.Ltmp1:
0x1d: {  	_ = 	snop;
	(pc) =	sbr.rel @!p1 .LBB2_5-.Ltmp1, $4  }
0x1e: {  	[tilespmem:s25+$0x18980] =	vst v0  }
0x1f: {  	[spmem:s9] =	stream.linear.scatter [tilespmem:s14], [sflag:$0x2], $0x800, $0x38;
	[tilespmem:$0x19180] =	vst v63  }
0x20: {  	_ =	swait.ge [sflag:s15], $0x800  }
0x21: {  	s0 =	sadd.s32 $0xFFFFFFFF, s8;
	s24 =	smov.u32 s9;
	[sflag:s15] =	ssyncset.done $0x0  }
.LBB2_4:
0x22: {  	p1 =	sne.s32 s0, $0x1;
	[sflag:s15] =	ssyncadd.s32 $0xFFFFF800;
	s24 =	sadd.s32 $0x800, s24  }
.Ltmp2:
0x23: {  	s0 =	sadd.s32 $0xFFFFFFFF, s0;
	(pc) =	sbr.rel @p1 .LBB2_4-.Ltmp2, $4  }
0x24: {  	_ = 	snop  }
0x25: {  	[spmem:s24] =	stream.linear.scatter [tilespmem:s14], [sflag:$0x2], $0x800, $0x38;
	[tilespmem:$0x19180] =	vst v63  }
0x26: {  	_ =	swait.ge [sflag:s15], $0x800  }
0x27: {  	[sflag:s15] =	ssyncset.done $0x0  }
.LBB2_5:
0x28: {  	[sflag:s15] =	ssyncadd.s32 $0xFFFFF800  }
0x29: {  	s24 =	simm.s32 $0x0;
	s25 =	simm.s32 $0x0;
	[bflag:$0x0] =	sbarrier.arrive $0xFFFF  }
.LBB2_6:
0x2a: {  	s0 =	smul.u32 $0x50, s25;
	_ =	sdelay $0x1  }
0x2b: {  	s0 =	sadd.s32 s10, s0  }
0x2c: {  	s26 =	sshrl.u32 s0, $0x3  }
0x2d: {  	s28 =	sadd.s32 s6, s26  }
0x2e: {  	[tilespmem:s16], [sflag:$0x2] =	stream.linear.gather [hbm4b:s28+s24], $0x50, $0x38;
	[tilespmem:$0x19180] =	vst v63  }
0x2f: {  	_ =	swait.ge [sflag:s15], $0x50  }
0x30: {  	[sflag:s15] =	ssyncset.done $0x0  }
0x31: {  	s26 =	sadd.s32 s7, s26;
	[sflag:s15] =	ssyncadd.s32 $0xFFFFFFB0  }
0x32: {  	[tilespmem:s17], [sflag:$0x2] =	stream.linear.gather [hbm4b:s26+s24], $0x50, $0x38;
	[tilespmem:$0x19180] =	vst v63  }
0x33: {  	_ =	swait.ge [sflag:s15], $0x50  }
0x34: {  	[sflag:s15] =	ssyncset.done $0x0  }
0x35: {  	[sflag:s15] =	ssyncadd.s32 $0xFFFFFFB0  }
0x36: {  	[tilespmem:s19], [sflag:$0x1] =	stream.indirect.gather [hbm4b:s1+s18], $0x80, s16, s18, $0xb8;
	[tilespmem:$0x19180] =	vst v63  }
0x37: {  	_ =	swait.ge [sflag:s20], $0x2800  }
0x38: {  	s0 =	sshll.u32 s0, $0x4;
	[sflag:s20] =	ssyncset.done $0x0  }
0x39: {  	s0 =	sadd.s32 s2, s0;
	[sflag:s20] =	ssyncadd.s32 $0xFFFFD800  }
0x3a: {  	[tilespmem:s21], [sflag:$0x2] =	stream.linear.gather [hbm4b:s0+s24], $0x2800, $0x38;
	[tilespmem:$0x19180] =	vst v63  }
0x3b: {  	_ =	swait.ge [sflag:s15], $0x2800  }
0x3c: {  	[sflag:s15] =	ssyncset.done $0x0  }
0x3d: {  	s30 =	simm.s32 $0x0;
	[sflag:s15] =	ssyncadd.s32 $0xFFFFD800  }
0x3e: {  	v1 =	vld [tilespmem:s30+$0x16180];
	_ =	sdelay $0x4  }
0x3f: {  	v1 =	vsub.f32 $0.0e+00, v1  }
0x40: {  	s26 =	simm.s32 $0x10  }
0x41: {  	v2 =	vld [tilespmem:s26+$0x16180];
	v1 =	vmul.f32 $1.442695020e+00, v1;
	_ =	sdelay $0x1  }
0x42: {  	(erf) = vpow2.f32 v1;
	_ =	sdelay $0x2  }
0x43: {  	v1 =	vsub.f32 $0.0e+00, v2;
	_ =	sdelay $0x1  }
0x44: {  	v1 =	vmul.f32 $1.442695020e+00, v1  }
0x45: {  	s28 =	simm.s32 $0x20  }
0x46: {  	v2 =	vld [tilespmem:s28+$0x16180]  }
0x47: {  	(erf) = vpow2.f32 v1  }
0x48: {  	v1 =	vpop (erf)  }
0x49: {  	v1 =	vadd.f32 $1.000000000e+00, v1;
	_ =	sdelay $0x1  }
0x4a: {  	v2 =	vsub.f32 $0.0e+00, v2;
	(erf) = vrcp.f32 v1;
	_ =	sdelay $0x1  }
0x4b: {  	s29 =	simm.s32 $0x30;
	v2 =	vmul.f32 $1.442695020e+00, v2  }
0x4c: {  	v1 =	vld [tilespmem:s29+$0x16180]  }
0x4d: {  	(erf) = vpow2.f32 v2  }
0x4e: {  	v3 =	vld [tilespmem:s30+$0x13980];
	v4 =	vpop (erf)  }
0x4f: {  	v4 =	vadd.f32 $1.000000000e+00, v4;
	_ =	sdelay $0x1  }
0x50: {  	(erf) = vrcp.f32 v4;
	v1 =	vsub.f32 $0.0e+00, v1  }
0x51: {  	v2 =	vpop (erf)  }
0x52: {  	s31 =	simm.s32 $0x40;
	s0 =	simm.s32 $0x140;
	v1 =	vmul.f32 $1.442695020e+00, v1;
	v2 =	vmul.f32 v2, v3  }
.LBB2_7:
0x53: {  	p1 =	sne.s32 s0, $0x9FC0;
	v3 =	vld [tilespmem:s31+$0x16180]  }
0x54: {  	(erf) = vpow2.f32 v1;
	[tilespmem:s30+$0x13980] =	vst v2;
	s30 =	smov.u32 s26;
	s26 =	smov.u32 s28;
	s28 =	smov.u32 s29  }
0x55: {  	s29 =	smov.u32 s31;
	v1 =	vpop (erf);
	v2 =	vld [tilespmem:s30+$0x13980]  }
.Ltmp3:
0x56: {  	v1 =	vadd.f32 $1.000000000e+00, v1;
	(pc) =	sbr.rel @p1 .LBB2_7-.Ltmp3, $4  }
0x57: {  	_ = 	snop  }
0x58: {  	v3 =	vsub.f32 $0.0e+00, v3;
	(erf) = vrcp.f32 v1  }
0x59: {  	v4 =	vpop (erf)  }
0x5a: {  	s31 =	sshra.s32 s0, $0x2;
	s0 =	sadd.s32 $0x40, s0;
	v1 =	vmul.f32 $1.442695020e+00, v3;
	v2 =	vmul.f32 v4, v2  }
0x5b: {  	_ =	sdelay $0x1  }
0x5c: {  	v3 =	vld [tilespmem:s31+$0x16180];
	(erf) = vpow2.f32 v1;
	[tilespmem:s30+$0x13980] =	vst v2;
	v1 =	vpop (erf)  }
0x5d: {  	v2 =	vld [tilespmem:s26+$0x13980];
	v1 =	vadd.f32 $1.000000000e+00, v1;
	_ =	sdelay $0x3  }
0x5e: {  	(erf) = vrcp.f32 v1;
	v1 =	vpop (erf)  }
0x5f: {  	v1 =	vmul.f32 v1, v2  }
0x60: {  	v3 =	vsub.f32 $0.0e+00, v3;
	_ =	sdelay $0x1  }
0x61: {  	v3 =	vmul.f32 $1.442695020e+00, v3  }
0x62: {  	[tilespmem:s26+$0x13980] =	vst v1;
	v1 =	vpop (erf)  }
0x63: {  	(erf) = vpow2.f32 v3;
	v2 =	vld [tilespmem:s28+$0x13980];
	v1 =	vadd.f32 $1.000000000e+00, v1;
	_ =	sdelay $0x3  }
0x64: {  	(erf) = vrcp.f32 v1;
	v1 =	vpop (erf)  }
0x65: {  	v1 =	vmul.f32 v1, v2;
	_ =	sdelay $0x3  }
0x66: {  	[tilespmem:s28+$0x13980] =	vst v1;
	v1 =	vpop (erf)  }
0x67: {  	v2 =	vld [tilespmem:s29+$0x13980];
	v1 =	vadd.f32 $1.000000000e+00, v1;
	_ =	sdelay $0x2  }
0x68: {  	(erf) = vrcp.f32 v1  }
0x69: {  	v1 =	vpop (erf)  }
0x6a: {  	v1 =	vmul.f32 v1, v2;
	_ =	sdelay $0x1  }
0x6b: {  	[tilespmem:s29+$0x13980] =	vst v1  }
0x6c: {  	v1 =	vld [tilespmem:s31+$0x13980];
	_ =	sdelay $0x3  }
0x6d: {  	v2 =	vpop (erf)  }
0x6e: {  	s25 =	sadd.s32 $0x1, s25;
	v1 =	vmul.f32 v2, v1  }
0x6f: {  	p1 =	sne.s32 s25, $0x7D  }
.Ltmp4:
0x70: {  	[tilespmem:s31+$0x13980] =	vst v1;
	(pc) =	sbr.rel @p1 .LBB2_6-.Ltmp4, $4  }
0x71: {  	[spmem:s3] =	stream.indirect.scatter.add.f32 [tilespmem:s19], [sflag:$0x2], $0x80, s17, s18, $0xb8;
	[tilespmem:$0x19180] =	vst v63  }
0x72: {  	_ =	swait.ge [sflag:s15], $0x2800  }
0x73: {  	[sflag:s15] =	ssyncset.done $0x0  }
0x74: {  	[sflag:s15] =	ssyncadd.s32 $0xFFFFD800  }
0x75: {  	[bflag:$0x0] =	sbarrier.arrive $0xFFFF;
	s0 =	simm.s32 @p0 $0x1FC2  }
0x76: {  	[hbm:s12], [sflag:s0] =	dma.local @p0 [spmem:s22], $0x2800  }
0x77: {  	s0 =	simm.s32 @p0 $0x2  }
0x78: {  	s23 =	sadd.s32 $0x1, s23;
	_ =	swait.ge @p0 [sflag:s0], $0x2800  }
0x79: {  	s24 =	sshll.u32 @!p0 s5, $0x6;
	p1 =	sne.s32 s23, s13;
	[sflag:s0] =	ssyncset.done @p0 $0x0  }
0x7a: {  	[sflag:s0] =	ssyncadd.s32 @p0 $0xFFFFD800;
	s0 =	sor.u32 @!p0 $0x1C02, s24;
	s24 =	sshrl.u32 @!p0 s9, $0x3  }
0x7b: {  	[hbm:s11], [sflag:s0] =	dma.local @!p0 [spmem:s24], $0x2700  }
.Ltmp5:
0x7c: {  	_ = 	snop;
	(pc) =	sbr.rel @p1 .LBB2_1-.Ltmp5, $4  }
0x7d: {  	s0 =	simm.s32 @!p0 $0x2  }
0x7e: {  	_ =	swait.ge @!p0 [sflag:s0], $0x2700  }
0x7f: {  	[sflag:s0] =	ssyncset.done @!p0 $0x0  }
0x80: {  	[sflag:s0] =	ssyncadd.s32 @!p0 $0xFFFFD900  }
0x81: {  	_ =	sfence.sel $0x180000  }
0x82: {  	[bflag:$0x0] =	sbarrier.arrive $0xFFFF  }
0x83: {  	_ =	strace $0x90000047  }
0x84: {  	[bflag:$0x2] =	sbarrier.arrive $0xFFFF  }
0x85: {  	p0 =	sne.s32 s5, $0x0;
	s0 =	rddreg [dreg:$0x4]  }
0x86: {  	s0 =	sadd.s32 @!p0 $0x100000, s0  }
0x87: {  	[sflag:s0] =	ssyncadd.tile.s32 @!p0 $0x1;
	_ =	shalt  }
.Lfunc_end2:
_tile_overlayer_lowered:
.L_overlay_start_2:
0x88: {  	(tag) =	ssettag $0x2  }
0x89: {  	s0 =	rddreg [dreg:$0x0];
	s2 =	stileid.u32  }
0x8a: {  	s1 =	rddreg [dreg:$0x1];
	p0 =	sne.s32 s2, $0x0  }
0x8b: {  	s3 =	rddreg [dreg:$0x2];
	[bflag:$0x3] =	sbarrier.arrive $0xFFFF;
	s2 =	simm.s32 @!p0 $0x1C02  }
0x8c: {  	[timem:s3], [sflag:s2] =	dma.local @!p0 [hbm:s0], s1  }
0x8d: {  	s0 =	simm.s32 @!p0 $0x2  }
0x8e: {  	_ =	swait.ge @!p0 [sflag:s0], s1  }
0x8f: {  	s1 =	ssub.s32 @!p0 $0x0, s1;
	[sflag:s0] =	ssyncset.done @!p0 $0x0  }
0x90: {  	[sflag:s0] =	ssyncadd.s32 @!p0 s1  }
0x91: {  	[bflag:$0x3] =	sbarrier.arrive $0xFFFF  }
0x92: {  	_ =	shalt  }

// kernel: kernel.9.cloned.1.call-start
scs
__scs_entry_jumppad:
0x0: {  	(pc) =	sbr.rel $0x88, $3  }
0x1: {  	(tag) =	ssettag $0x0;
	lr =	simm.s32 $0x1  }
0x2: {  	[smem:$0x3F98] =	sst lr;
	_ =	strace $0xD0000000  }
0x3: {  	_ = 	snop  }
0x4: {  	_ = 	snop  }
0x5: {  	_ = 	snop  }
0x6: {  	_ = 	snop  }
0x7: {  	_ = 	snop  }
__scs_overlays_trampoline_lowered:
0x8: {  	[smem:$0x3FA7] =	sst s0  }
0x9: {  	[smem:$0x3FA8] =	sst s1  }
0xa: {  	[smem:$0x3FA9] =	sst s2  }
0xb: {  	[smem:$0x3FAA] =	sst s3  }
0xc: {  	[smem:$0x3FAB] =	sst s4  }
0xd: {  	[smem:$0x3FAC] =	sst s5  }
0xe: {  	[smem:$0x3FAD] =	sst s6  }
0xf: {  	[smem:$0x3FAE] =	sst s7  }
0x10: {  	[smem:$0x3FAF] =	sst s8  }
0x11: {  	[smem:$0x3FB0] =	sst s9;
	s0 =	simm.s32 @!p0 $0x0  }
0x12: {  	s1 =	sld [smem:$0x3F96];
	s0 =	simm.s32 @p0 $0x1  }
0x13: {  	[smem:$0x3FB1] =	sst s0;
	s0 =	simm.s32 @!p1 $0x0  }
0x14: {  	s2 =	sld [smem:$0x3F95];
	s0 =	simm.s32 @p1 $0x1  }
0x15: {  	[smem:$0x3FB2] =	sst s0;
	s0 =	simm.s32 @!p2 $0x0  }
0x16: {  	s3 =	sld [smem:$0x3FDB];
	s0 =	simm.s32 @p2 $0x1  }
0x17: {  	s4 =	simm.s32 $0x1BF5;
	[smem:$0x3FB4] =	sst s0  }
0x18: {  	s0 =	sld [smem:$0x3F97];
	_ =	swait.ge [sflag:s4], $0x0  }
0x19: {  	s7 =	sld [smem:$0x3F98]  }
0x1a: {  	s8 =	sadd.s32 $0xFFFFE003, lr  }
0x1b: {  	s9 =	sadd.s32 $0xFFFFFEF7, lr;
	s5 =	simm.s32 $0xFFFFFFFF;
	p2 =	slt.u32 s8, $0xFFFFF086  }
0x1c: {  	p1 =	slt.u32 s9, $0xF7A;
	s5 =	simm.s32 @!p2 $0x0  }
0x1d: {  	s5 =	simm.s32 @p1 $0x1;
	p0 =	seq.s32 s7, s2  }
0x1e: {  	s7 =	smul.u32 @!p0 $0xF7A, s2;
	p2 =	seq.s32 @!p0 s5, $0x0  }
0x1f: {  	s9 =	smul.u32 $0xF7A, s1;
	s8 =	simm.s32 @!p0 $0x1BF5;
	p2 =	por !p2, p0  }
0x20: {  	[sflag:s8] =	ssyncset.s32 @!p0 $0xFFFFF086;
	s6 =	sadd.s32 @!p0 s3, s7;
	s7 =	simm.s32 @!p0 $0x108  }
0x21: {  	s3 =	sadd.s32 s3, s9;
	s6 =	sadd.s32 @!p0 $0x88, s6;
	s7 =	simm.s32 @p2 $0x1082  }
0x22: {  	[simem:s7], [sflag:s8] =	dma.local @!p0 [hbm:s6], $0xF7A  }
0x23: {  	s9 =	sor.u32 $0xD0000000, s2;
	s6 =	simm.s32 $0x108;
	_ =	swait.ge @!p0 [sflag:s8], $0x0  }
0x24: {  	s3 =	sadd.s32 $0x88, s3;
	s6 =	simm.s32 @!p1 $0x1082;
	[sflag:s4] =	ssyncset.s32 $0xFFFFF086  }
0x25: {  	[simem:s6], [sflag:s4] =	dma.local [hbm:s3], $0xF7A  }
0x26: {  	[smem:$0x3F98] =	sst s1;
	(tag) =	ssettag s2;
	_ =	strace s9  }
0x27: {  	s1 =	sld [smem:$0x3FA8]  }
0x28: {  	s2 =	sld [smem:$0x3FA9]  }
0x29: {  	s4 =	sld [smem:$0x3FAB]  }
0x2a: {  	p0 =	seq.s32 s5, $0x0;
	s5 =	sld [smem:$0x3FAC]  }
0x2b: {  	s6 =	sld [smem:$0x3FAD]  }
0x2c: {  	s7 =	sld [smem:$0x3FAE]  }
0x2d: {  	s3 =	simm.s32 $0x108;
	s8 =	sld [smem:$0x3FAF]  }
0x2e: {  	s3 =	simm.s32 @!p0 $0x1082;
	s9 =	sld [smem:$0x3FB0]  }
0x2f: {  	lr =	sadd.s32 s0, s3;
	s0 =	sld [smem:$0x3FA7]  }
0x30: {  	s3 =	sld [smem:$0x3FAA]  }
0x31: {  	[smem:$0x3FB3] =	sst s10  }
0x32: {  	s10 =	sld [smem:$0x3FB1];
	_ =	sdelay $0x3  }
0x33: {  	p0 =	seq.s32 s10, $0x1;
	s10 =	sld [smem:$0x3FB3];
	_ =	sdelay $0x3  }
0x34: {  	[smem:$0x3FB3] =	sst s10  }
0x35: {  	s10 =	sld [smem:$0x3FB2];
	_ =	sdelay $0x3  }
0x36: {  	p1 =	seq.s32 s10, $0x1;
	s10 =	sld [smem:$0x3FB3];
	_ =	sdelay $0x3  }
0x37: {  	[smem:$0x3FB3] =	sst s10  }
0x38: {  	s10 =	sld [smem:$0x3FB4]  }
0x39: {  	_ = 	snop;
	(pc) =	sbr.ind lr, $3  }
0x3a: {  	_ = 	snop  }
0x3b: {  	_ = 	snop  }
0x3c: {  	p2 =	seq.s32 s10, $0x1;
	s10 =	sld [smem:$0x3FB3]  }
0x3d: {  	_ =	shalt  }
0x3e: {  	_ =	shalt  }
0x3f: {  	_ =	shalt  }
0x40: {  	_ =	shalt  }
0x41: {  	_ =	shalt  }
0x42: {  	_ =	shalt  }
0x43: {  	_ =	shalt  }
0x44: {  	_ =	shalt  }
0x45: {  	_ =	shalt  }
0x46: {  	_ =	shalt  }
0x47: {  	_ =	shalt  }
0x48: {  	_ =	shalt  }
0x49: {  	_ =	shalt  }
0x4a: {  	_ =	shalt  }
0x4b: {  	_ =	shalt  }
0x4c: {  	_ =	shalt  }
0x4d: {  	_ =	shalt  }
0x4e: {  	_ =	shalt  }
0x4f: {  	_ =	shalt  }
0x50: {  	_ =	shalt  }
0x51: {  	_ =	shalt  }
0x52: {  	_ =	shalt  }
0x53: {  	_ =	shalt  }
0x54: {  	_ =	shalt  }
0x55: {  	_ =	shalt  }
0x56: {  	_ =	shalt  }
0x57: {  	_ =	shalt  }
0x58: {  	_ =	shalt  }
0x59: {  	_ =	shalt  }
0x5a: {  	_ =	shalt  }
0x5b: {  	_ =	shalt  }
0x5c: {  	_ =	shalt  }
0x5d: {  	_ =	shalt  }
0x5e: {  	_ =	shalt  }
0x5f: {  	_ =	shalt  }
0x60: {  	_ =	shalt  }
0x61: {  	_ =	shalt  }
0x62: {  	_ =	shalt  }
0x63: {  	_ =	shalt  }
0x64: {  	_ =	shalt  }
0x65: {  	_ =	shalt  }
0x66: {  	_ =	shalt  }
0x67: {  	_ =	shalt  }
0x68: {  	_ =	shalt  }
0x69: {  	_ =	shalt  }
0x6a: {  	_ =	shalt  }
0x6b: {  	_ =	shalt  }
0x6c: {  	_ =	shalt  }
0x6d: {  	_ =	shalt  }
0x6e: {  	_ =	shalt  }
0x6f: {  	_ =	shalt  }
0x70: {  	_ =	shalt  }
0x71: {  	_ =	shalt  }
0x72: {  	_ =	shalt  }
0x73: {  	_ =	shalt  }
0x74: {  	_ =	shalt  }
0x75: {  	_ =	shalt  }
0x76: {  	_ =	shalt  }
0x77: {  	_ =	shalt  }
0x78: {  	_ =	shalt  }
0x79: {  	_ =	shalt  }
0x7a: {  	_ =	shalt  }
0x7b: {  	_ =	shalt  }
0x7c: {  	_ =	shalt  }
0x7d: {  	_ =	shalt  }
0x7e: {  	_ =	shalt  }
0x7f: {  	_ =	shalt  }
0x80: {  	_ =	shalt  }
0x81: {  	_ =	shalt  }
0x82: {  	_ =	shalt  }
0x83: {  	_ =	shalt  }
0x84: {  	_ =	shalt  }
0x85: {  	_ =	shalt  }
0x86: {  	_ =	shalt  }
0x87: {  	_ =	shalt  }
.Lfunc_end0:
.L_simem_size_0:
called_computation.1_lowered:
.L_overlay_start_0:
0x88: {  	s2 =	sld [smem:$0x3FD9]  }
0x89: {  	s3 =	sld [smem:$0x3FFE];
	_ =	sdelay $0x1  }
0x8a: {  	s1 =	srdreg.scid  }
0x8b: {  	s0 =	sand.u32 $0x1, s1  }
0x8c: {  	s17 =	sshll.u32 s0, $0xA;
	s2 =	sadd.s32 s3, s2  }
0x8d: {  	s2 =	sadd.s32 s2, s17  }
0x8e: {  	[smem:$0x3FBF] =	sst s2  }
0x8f: {  	_ = 	snop  }
0x90: {  	s2 =	sld [smem:$0x3FC7]  }
0x91: {  	s18 =	sld [smem:$0x3FD0];
	(tm) =	ssettm $0x1  }
0x92: {  	s4 =	sld [smem:$0x3FFB];
	_ =	sdelay $0x3  }
0x93: {  	_ =	strace s4  }
0x94: {  	s4 =	sld [smem:$0x3FFC];
	_ =	sdelay $0x3  }
0x95: {  	_ =	strace s4  }
0x96: {  	s4 =	sld [smem:$0x3FFD];
	_ =	sdelay $0x3  }
0x97: {  	_ =	strace s4  }
0x98: {  	_ =	strace $0x8FFFFFFF  }
0x99: {  	s19 =	sld [smem:$0x3FDB];
	_ =	sdelay $0x1  }
0x9a: {  	s5 =	simm.s32 $_scs_section_size  }
0x9b: {  	s6 =	simm.s32 $_size__tile_overlayer_lowered;
	s7 =	simm.s32 $_tile_overlayer_lowered  }
0x9c: {  	s22 =	simm.s32 $0x1BFF;
	s21 =	sshll.u32 s7, $0x1;
	s4 =	sadd.s32 s5, s19  }
0x9d: {  	s8 =	simm.s32 $0x0;
	s20 =	sshll.u32 s6, $0x1;
	s6 =	sadd.s32 s21, s4  }
0x9e: {  	[timem:s8], [sflag:s22] =	dma.local [hbm:s6], s20  }
0x9f: {  	_ =	swait.ge [sflag:s22], s20  }
0xa0: {  	s5 =	ssub.s32 $0x0, s20;
	[sflag:s22] =	ssyncset.done $0x0  }
0xa1: {  	[sflag:s22] =	ssyncadd.s32 s5;
	_ =	sdelay $0x1  }
0xa2: {  	s23 =	simm.s32 $0x1B8B  }
0xa3: {  	_ =	swait.ge [sflag:s23], $0x1  }
0xa4: {  	[sflag:s23] =	ssyncset.done $0x0  }
0xa5: {  	s25 =	simm.s32 $0x1B8E;
	s24 =	sld [smem:$0x3FFE];
	[sflag:s23] =	ssyncadd.s32 $0xFFFFFFFF  }
0xa6: {  	s26 =	simm.s32 $execute0_lowered;
	[smem:$0x3FD2] =	sst s25  }
0xa7: {  	s6 =	sshll.u32 s26, $0x1;
	_ =	strace $0x80000049;
	[dreg:$0x1] =	wrdreg $0xFFFFFFFF  }
0xa8: {  	s28 =	simm.s32 $_size_execute0_lowered;
	s4 =	sadd.s32 s4, s6;
	[dreg:$0x0] =	wrdreg $0x0  }
0xa9: {  	s6 =	sshll.u32 s28, $0x1;
	[dreg:$0x2] =	wrdreg s4  }
0xaa: {  	[dreg:$0x3] =	wrdreg s6  }
0xab: {  	[dreg:$0x4] =	wrdreg $0xC0  }
0xac: {  	_ =	task [dreg:s8], $0x5FFFF  }
0xad: {  	[dreg:$0x1] =	wrdreg $0xFFFFFFFF  }
0xae: {  	[dreg:$0x0] =	wrdreg $0x60  }
0xaf: {  	[dreg:$0x2] =	wrdreg s18  }
0xb0: {  	[dreg:$0x3] =	wrdreg s24  }
0xb1: {  	[dreg:$0x4] =	wrdreg s2  }
0xb2: {  	[dreg:$0x5] =	wrdreg $0x0  }
0xb3: {  	[dreg:$0x6] =	wrdreg $0x9  }
0xb4: {  	_ =	task.clear_ibuf [dreg:s8], $0x7FFFF;
	_ =	strace $0x90000049  }
0xb5: {  	s29 =	simm.s32 $0x9;
	_ =	strace $0x8000004B  }
0xb6: {  	_ =	swait.ge [sflag:s29], $0x1  }
0xb7: {  	[sflag:s29] =	ssyncadd.s32 $0xFFFFFFFF  }
0xb8: {  	_ =	strace $0x9000004B  }
0xb9: {  	_ =	sfence  }
0xba: {  	s30 =	sld [smem:$0x0];
	_ =	sdelay $0x2  }
0xbb: {  	s31 =	sshll.u32 s1, $0xD;
	s1 =	sshrl.u32 s1, $0x2  }
0xbc: {  	s3 =	sand.u32 $0x4000, s31;
	s1 =	sadd.s32 s1, s30  }
0xbd: {  	s0 =	sor.u32 s3, s0;
	s1 =	sshll.u32 s1, $0x11  }
0xbe: {  	s0 =	sor.u32 s1, s0  }
0xbf: {  	s0 =	sadd.s32 $0x8F2B, s0  }
0xc0: {  	[sflag:s0] =	ssyncadd.remote.s32 $0x1  }
0xc1: {  	_ =	sfence.sel $0xFFFF  }
0xc2: {  	[dreg:$0x0] =	wrdreg $0xFFFFFFFF;
	(pc) =	sbr.abs _section_cstart, $3  }
0xc3: {  	[dreg:$0x1] =	wrdreg $0xFFFFFFFF  }
0xc4: {  	_ =	task.clear_ibuf [dreg:s8], $0x2FFFF;
	_ =	strace $0x9FFFFFFF  }
0xc5: {  	(tm) =	ssettm $0x7FFFFFFF  }
tec
execute0_lowered:
.L_overlay_start_1:
0x0: {  	(tag) =	ssettag $0x1  }
0x1: {  	s1 =	rddreg [dreg:$0x0]  }
0x2: {  	s0 =	rddreg [dreg:$0x1]  }
0x3: {  	s2 =	rddreg [dreg:$0x2]  }
0x4: {  	s3 =	rddreg [dreg:$0x3];
	s4 =	simm.s32 $0x0;
	s8 =	srdreg.scid  }
0x5: {  	s5 =	stileid.u32;
	s17 =	simm.s32 $0x13900;
	s18 =	simm.s32 $0x50  }
0x6: {  	s19 =	simm.s32 $0x13980;
	s20 =	simm.s32 $0x1;
	s21 =	simm.s32 $0x16180  }
0x7: {  	s23 =	simm.s32 $0x0;
	[smem:$0x7FF] =	sst s4;
	s6 =	sadd.s32 $0xBA00, s0  }
0x8: {  	s7 =	sadd.s32 $0x1C00, s0;
	s9 =	sand.u32 $0x1, s8;
	s0 =	sadd.s32 $0x15800, s0  }
0x9: {  	s11 =	smul.u32 $0x4E000, s5;
	s13 =	sshll.u32 s5, $0x1;
	p0 =	seq.s32 s5, $0xF  }
0xa: {  	s8 =	simm.s32 $0x28;
	s15 =	smul.u32 $0x13800, s5;
	_ =	strace $0x8000004A  }
0xb: {  	s10 =	ssub.s32 $0x2, s9;
	s14 =	smul.u32 $0x138800, s9;
	s28 =	sor.u32 s9, s13  }
0xc: {  	s8 =	simm.s32 @!p0 $0x27;
	s12 =	sshrl.u32 s10, $0x1;
	s29 =	sshrl.u32 s11, $0x2  }
0xd: {  	s16 =	ssub.s32 s10, s12;
	s30 =	sadd.s32 s15, s14;
	s31 =	sshrl.u32 s14, $0x3  }
0xe: {  	s9 =	sadd.s32 s29, s3;
	s10 =	smul.u32 $0x2710, s28;
	s14 =	simm.s32 $0x18980  }
0xf: {  	s15 =	simm.s32 $0x2;
	s11 =	sshrl.u32 s30, $0x3;
	s12 =	sadd.s32 s0, s31  }
0x10: {  	s13 =	smax.u32 s16, $0x1;
	s11 =	sadd.s32 s0, s11;
	s0 =	sadd.s32 $0x124800, s3  }
0x11: {  	v0 =	vimm.f32 $0.0e+00;
	s16 =	simm.s32 $0x13880;
	s12 =	sadd.s32 $0x24900, s12;
	s22 =	sshrl.u32 @p0 s0, $0x3  }
.LBB2_1:
0x12: {  	s0 =	sand.u32 $0x1E00, s4  }
0x13: {  	s24 =	sand.u32 $0x70, s4;
	s25 =	sshrl.u32 s0, $0x2  }
0x14: {  	s0 =	simm.s32 $0x40;
	s25 =	sor.u32 s24, s25;
	s24 =	simm.s32 $0x0  }
.LBB2_2:
0x15: {  	p1 =	sne.s32 s0, $0x1FC0  }
0x16: {  	[tilespmem:s25+$0x18980] =	vst v0;
	s24 =	sadd.s32 $0x10, s24;
	s25 =	smov.u32 s0;
	s0 =	sadd.s32 $0x40, s0  }
.Ltmp0:
0x17: {  	(pc) =	sbr.rel @p1 .LBB2_2-.Ltmp0, $4  }
0x18: {  	_ = 	snop  }
0x19: {  	s25 =	sand.u32 $0x1E00, s25  }
0x1a: {  	s26 =	sand.u32 $0x70, s24;
	s25 =	sshrl.u32 s25, $0x2  }
0x1b: {  	s25 =	sor.u32 s26, s25  }
0x1c: {  	p1 =	sne.s32 s8, $0x1  }
.Ltmp1:
0x1d: {  	_ = 	snop;
	(pc) =	sbr.rel @!p1 .LBB2_5-.Ltmp1, $4  }
0x1e: {  	[tilespmem:s25+$0x18980] =	vst v0  }
0x1f: {  	[spmem:s9] =	stream.linear.scatter [tilespmem:s14], [sflag:$0x2], $0x800, $0x38;
	[tilespmem:$0x19180] =	vst v63  }
0x20: {  	_ =	swait.ge [sflag:s15], $0x800  }
0x21: {  	s0 =	sadd.s32 $0xFFFFFFFF, s8;
	s24 =	smov.u32 s9;
	[sflag:s15] =	ssyncset.done $0x0  }
.LBB2_4:
0x22: {  	p1 =	sne.s32 s0, $0x1;
	[sflag:s15] =	ssyncadd.s32 $0xFFFFF800;
	s24 =	sadd.s32 $0x800, s24  }
.Ltmp2:
0x23: {  	s0 =	sadd.s32 $0xFFFFFFFF, s0;
	(pc) =	sbr.rel @p1 .LBB2_4-.Ltmp2, $4  }
0x24: {  	_ = 	snop  }
0x25: {  	[spmem:s24] =	stream.linear.scatter [tilespmem:s14], [sflag:$0x2], $0x800, $0x38;
	[tilespmem:$0x19180] =	vst v63  }
0x26: {  	_ =	swait.ge [sflag:s15], $0x800  }
0x27: {  	[sflag:s15] =	ssyncset.done $0x0  }
.LBB2_5:
0x28: {  	[sflag:s15] =	ssyncadd.s32 $0xFFFFF800  }
0x29: {  	s24 =	simm.s32 $0x0;
	s25 =	simm.s32 $0x0;
	[bflag:$0x0] =	sbarrier.arrive $0xFFFF  }
.LBB2_6:
0x2a: {  	s0 =	smul.u32 $0x50, s25;
	_ =	sdelay $0x1  }
0x2b: {  	s0 =	sadd.s32 s10, s0  }
0x2c: {  	s26 =	sshrl.u32 s0, $0x3  }
0x2d: {  	s28 =	sadd.s32 s6, s26  }
0x2e: {  	[tilespmem:s16], [sflag:$0x2] =	stream.linear.gather [hbm4b:s28+s24], $0x50, $0x38;
	[tilespmem:$0x19180] =	vst v63  }
0x2f: {  	_ =	swait.ge [sflag:s15], $0x50  }
0x30: {  	[sflag:s15] =	ssyncset.done $0x0  }
0x31: {  	s26 =	sadd.s32 s7, s26;
	[sflag:s15] =	ssyncadd.s32 $0xFFFFFFB0  }
0x32: {  	[tilespmem:s17], [sflag:$0x2] =	stream.linear.gather [hbm4b:s26+s24], $0x50, $0x38;
	[tilespmem:$0x19180] =	vst v63  }
0x33: {  	_ =	swait.ge [sflag:s15], $0x50  }
0x34: {  	[sflag:s15] =	ssyncset.done $0x0  }
0x35: {  	[sflag:s15] =	ssyncadd.s32 $0xFFFFFFB0  }
0x36: {  	[tilespmem:s19], [sflag:$0x1] =	stream.indirect.gather [hbm4b:s1+s18], $0x80, s16, s18, $0xb8;
	[tilespmem:$0x19180] =	vst v63  }
0x37: {  	_ =	swait.ge [sflag:s20], $0x2800  }
0x38: {  	s0 =	sshll.u32 s0, $0x4;
	[sflag:s20] =	ssyncset.done $0x0  }
0x39: {  	s0 =	sadd.s32 s2, s0;
	[sflag:s20] =	ssyncadd.s32 $0xFFFFD800  }
0x3a: {  	[tilespmem:s21], [sflag:$0x2] =	stream.linear.gather [hbm4b:s0+s24], $0x2800, $0x38;
	[tilespmem:$0x19180] =	vst v63  }
0x3b: {  	_ =	swait.ge [sflag:s15], $0x2800  }
0x3c: {  	[sflag:s15] =	ssyncset.done $0x0  }
0x3d: {  	s30 =	simm.s32 $0x0;
	[sflag:s15] =	ssyncadd.s32 $0xFFFFD800  }
0x3e: {  	v1 =	vld [tilespmem:s30+$0x16180];
	_ =	sdelay $0x4  }
0x3f: {  	v1 =	vsub.f32 $0.0e+00, v1  }
0x40: {  	s26 =	simm.s32 $0x10  }
0x41: {  	v2 =	vld [tilespmem:s26+$0x16180];
	v1 =	vmul.f32 $1.442695020e+00, v1;
	_ =	sdelay $0x1  }
0x42: {  	(erf) = vpow2.f32 v1;
	_ =	sdelay $0x2  }
0x43: {  	v1 =	vsub.f32 $0.0e+00, v2;
	_ =	sdelay $0x1  }
0x44: {  	v1 =	vmul.f32 $1.442695020e+00, v1  }
0x45: {  	s28 =	simm.s32 $0x20  }
0x46: {  	v2 =	vld [tilespmem:s28+$0x16180]  }
0x47: {  	(erf) = vpow2.f32 v1  }
0x48: {  	v1 =	vpop (erf)  }
0x49: {  	v1 =	vadd.f32 $1.000000000e+00, v1;
	_ =	sdelay $0x1  }
0x4a: {  	v2 =	vsub.f32 $0.0e+00, v2;
	(erf) = vrcp.f32 v1;
	_ =	sdelay $0x1  }
0x4b: {  	s29 =	simm.s32 $0x30;
	v2 =	vmul.f32 $1.442695020e+00, v2  }
0x4c: {  	v1 =	vld [tilespmem:s29+$0x16180]  }
0x4d: {  	(erf) = vpow2.f32 v2  }
0x4e: {  	v3 =	vld [tilespmem:s30+$0x13980];
	v4 =	vpop (erf)  }
0x4f: {  	v4 =	vadd.f32 $1.000000000e+00, v4;
	_ =	sdelay $0x1  }
0x50: {  	(erf) = vrcp.f32 v4;
	v1 =	vsub.f32 $0.0e+00, v1  }
0x51: {  	v2 =	vpop (erf)  }
0x52: {  	s31 =	simm.s32 $0x40;
	s0 =	simm.s32 $0x140;
	v1 =	vmul.f32 $1.442695020e+00, v1;
	v2 =	vmul.f32 v2, v3  }
.LBB2_7:
0x53: {  	p1 =	sne.s32 s0, $0x9FC0;
	v3 =	vld [tilespmem:s31+$0x16180]  }
0x54: {  	(erf) = vpow2.f32 v1;
	[tilespmem:s30+$0x13980] =	vst v2;
	s30 =	smov.u32 s26;
	s26 =	smov.u32 s28;
	s28 =	smov.u32 s29  }
0x55: {  	s29 =	smov.u32 s31;
	v1 =	vpop (erf);
	v2 =	vld [tilespmem:s30+$0x13980]  }
.Ltmp3:
0x56: {  	v1 =	vadd.f32 $1.000000000e+00, v1;
	(pc) =	sbr.rel @p1 .LBB2_7-.Ltmp3, $4  }
0x57: {  	_ = 	snop  }
0x58: {  	v3 =	vsub.f32 $0.0e+00, v3;
	(erf) = vrcp.f32 v1  }
0x59: {  	v4 =	vpop (erf)  }
0x5a: {  	s31 =	sshra.s32 s0, $0x2;
	s0 =	sadd.s32 $0x40, s0;
	v1 =	vmul.f32 $1.442695020e+00, v3;
	v2 =	vmul.f32 v4, v2  }
0x5b: {  	_ =	sdelay $0x1  }
0x5c: {  	v3 =	vld [tilespmem:s31+$0x16180];
	(erf) = vpow2.f32 v1;
	[tilespmem:s30+$0x13980] =	vst v2;
	v1 =	vpop (erf)  }
0x5d: {  	v2 =	vld [tilespmem:s26+$0x13980];
	v1 =	vadd.f32 $1.000000000e+00, v1;
	_ =	sdelay $0x3  }
0x5e: {  	(erf) = vrcp.f32 v1;
	v1 =	vpop (erf)  }
0x5f: {  	v1 =	vmul.f32 v1, v2  }
0x60: {  	v3 =	vsub.f32 $0.0e+00, v3;
	_ =	sdelay $0x1  }
0x61: {  	v3 =	vmul.f32 $1.442695020e+00, v3  }
0x62: {  	[tilespmem:s26+$0x13980] =	vst v1;
	v1 =	vpop (erf)  }
0x63: {  	(erf) = vpow2.f32 v3;
	v2 =	vld [tilespmem:s28+$0x13980];
	v1 =	vadd.f32 $1.000000000e+00, v1;
	_ =	sdelay $0x3  }
0x64: {  	(erf) = vrcp.f32 v1;
	v1 =	vpop (erf)  }
0x65: {  	v1 =	vmul.f32 v1, v2;
	_ =	sdelay $0x3  }
0x66: {  	[tilespmem:s28+$0x13980] =	vst v1;
	v1 =	vpop (erf)  }
0x67: {  	v2 =	vld [tilespmem:s29+$0x13980];
	v1 =	vadd.f32 $1.000000000e+00, v1;
	_ =	sdelay $0x2  }
0x68: {  	(erf) = vrcp.f32 v1  }
0x69: {  	v1 =	vpop (erf)  }
0x6a: {  	v1 =	vmul.f32 v1, v2;
	_ =	sdelay $0x1  }
0x6b: {  	[tilespmem:s29+$0x13980] =	vst v1  }
0x6c: {  	v1 =	vld [tilespmem:s31+$0x13980];
	_ =	sdelay $0x3  }
0x6d: {  	v2 =	vpop (erf)  }
0x6e: {  	s25 =	sadd.s32 $0x1, s25;
	v1 =	vmul.f32 v2, v1  }
0x6f: {  	p1 =	sne.s32 s25, $0x7D  }
.Ltmp4:
0x70: {  	[tilespmem:s31+$0x13980] =	vst v1;
	(pc) =	sbr.rel @p1 .LBB2_6-.Ltmp4, $4  }
0x71: {  	[spmem:s3] =	stream.indirect.scatter.add.f32 [tilespmem:s19], [sflag:$0x2], $0x80, s17, s18, $0xb8;
	[tilespmem:$0x19180] =	vst v63  }
0x72: {  	_ =	swait.ge [sflag:s15], $0x2800  }
0x73: {  	[sflag:s15] =	ssyncset.done $0x0  }
0x74: {  	[sflag:s15] =	ssyncadd.s32 $0xFFFFD800  }
0x75: {  	[bflag:$0x0] =	sbarrier.arrive $0xFFFF;
	s0 =	simm.s32 @p0 $0x1FC2  }
0x76: {  	[hbm:s12], [sflag:s0] =	dma.local @p0 [spmem:s22], $0x2800  }
0x77: {  	s0 =	simm.s32 @p0 $0x2  }
0x78: {  	s23 =	sadd.s32 $0x1, s23;
	_ =	swait.ge @p0 [sflag:s0], $0x2800  }
0x79: {  	s24 =	sshll.u32 @!p0 s5, $0x6;
	p1 =	sne.s32 s23, s13;
	[sflag:s0] =	ssyncset.done @p0 $0x0  }
0x7a: {  	[sflag:s0] =	ssyncadd.s32 @p0 $0xFFFFD800;
	s0 =	sor.u32 @!p0 $0x1C02, s24;
	s24 =	sshrl.u32 @!p0 s9, $0x3  }
0x7b: {  	[hbm:s11], [sflag:s0] =	dma.local @!p0 [spmem:s24], $0x2700  }
.Ltmp5:
0x7c: {  	_ = 	snop;
	(pc) =	sbr.rel @p1 .LBB2_1-.Ltmp5, $4  }
0x7d: {  	s0 =	simm.s32 @!p0 $0x2  }
0x7e: {  	_ =	swait.ge @!p0 [sflag:s0], $0x2700  }
0x7f: {  	[sflag:s0] =	ssyncset.done @!p0 $0x0  }
0x80: {  	[sflag:s0] =	ssyncadd.s32 @!p0 $0xFFFFD900  }
0x81: {  	_ =	sfence.sel $0x180000  }
0x82: {  	[bflag:$0x0] =	sbarrier.arrive $0xFFFF  }
0x83: {  	_ =	strace $0x9000004A  }
0x84: {  	[bflag:$0x2] =	sbarrier.arrive $0xFFFF  }
0x85: {  	p0 =	sne.s32 s5, $0x0;
	s0 =	rddreg [dreg:$0x4]  }
0x86: {  	s0 =	sadd.s32 @!p0 $0x100000, s0  }
0x87: {  	[sflag:s0] =	ssyncadd.tile.s32 @!p0 $0x1;
	_ =	shalt  }
.Lfunc_end2:
_tile_overlayer_lowered:
.L_overlay_start_2:
0x88: {  	(tag) =	ssettag $0x2  }
0x89: {  	s0 =	rddreg [dreg:$0x0];
	s2 =	stileid.u32  }
0x8a: {  	s1 =	rddreg [dreg:$0x1];
	p0 =	sne.s32 s2, $0x0  }
0x8b: {  	s3 =	rddreg [dreg:$0x2];
	[bflag:$0x3] =	sbarrier.arrive $0xFFFF;
	s2 =	simm.s32 @!p0 $0x1C02  }
0x8c: {  	[timem:s3], [sflag:s2] =	dma.local @!p0 [hbm:s0], s1  }
0x8d: {  	s0 =	simm.s32 @!p0 $0x2  }
0x8e: {  	_ =	swait.ge @!p0 [sflag:s0], s1  }
0x8f: {  	s1 =	ssub.s32 @!p0 $0x0, s1;
	[sflag:s0] =	ssyncset.done @!p0 $0x0  }
0x90: {  	[sflag:s0] =	ssyncadd.s32 @!p0 s1  }
0x91: {  	[bflag:$0x3] =	sbarrier.arrive $0xFFFF  }
0x92: {  	_ =	shalt  }

</sc_bundles>
